<compile_context>
chip_gen: v7x
topology: tpu7x:2x2x1
jax: 0.10.2.dev20260603
libtpu: 0.0.44.dev20260713+nightly
codegen_flags: <defaults>
</compile_context>

<pallas_src>
import functools

import jax
import jax.numpy as jnp
from jax import lax
from jax.experimental import pallas as pl
from jax.experimental.pallas import tpu as pltpu
from jax.experimental.pallas import tpu_sc as plsc

NC = 2
NS = 16
NW = NC * NS
LANES = 16

CHUNK = 96
ITERS = 106
NPAD = 10240


def _sc_aggregate(x, src, dst):
    n, d = x.shape
    rpt = NPAD // NS
    epw = ITERS * CHUNK
    assert src.shape == (NW * epw,)

    mesh = plsc.VectorSubcoreMesh(
        core_axis_name="c", subcore_axis_name="s", num_cores=NC, num_subcores=NS
    )

    @functools.partial(
        pl.kernel,
        out_type=(
            jax.ShapeDtypeStruct((NC, NPAD, d), jnp.float32),
            jax.ShapeDtypeStruct((NC, NS, NPAD), jnp.float32),
        ),
        mesh=mesh,
        compiler_params=pltpu.CompilerParams(needs_layout_passes=False),
        scratch_types=(
            pltpu.VMEM((CHUNK,), jnp.int32),
            pltpu.VMEM((CHUNK,), jnp.int32),
            pltpu.VMEM((CHUNK,), jnp.int32),
            pltpu.VMEM((CHUNK,), jnp.int32),
            pltpu.VMEM((CHUNK, d), jnp.float32),
            pltpu.VMEM((CHUNK, d), jnp.float32),
            pltpu.VMEM((NPAD,), jnp.float32),
            pltpu.VMEM_SHARED((NPAD, d), jnp.float32),
            pltpu.SemaphoreType.DMA,
            pltpu.SemaphoreType.DMA,
        ),
    )
    def agg(x_hbm, src_hbm, dst_hbm, psum_hbm, pdeg_hbm,
            src_a, dst_a, src_b, dst_b, buf_a, buf_b, deg_v, acc,
            sem_a, sem_b):
        cid = lax.axis_index("c")
        sid = lax.axis_index("s")
        wid = sid * NC + cid
        zvec = jnp.zeros((LANES,), jnp.float32)
        ones = jnp.ones((LANES,), jnp.float32)

        def fill_deg(i, carry):
            deg_v[pl.ds(i * LANES, LANES)] = zvec
            return carry
        lax.fori_loop(0, NPAD // LANES, fill_deg, 0)

        def fill_rows(i, carry):
            for j in range(d // LANES):
                buf_a[i, pl.ds(j * LANES, LANES)] = zvec
            return carry
        lax.fori_loop(0, CHUNK, fill_rows, 0)

        for c in range(rpt // 64):
            pltpu.sync_copy(buf_a.at[pl.ds(0, 64)],
                            acc.at[pl.ds(sid * rpt + c * 64, 64)])
        plsc.subcore_barrier()

        ebase = wid * epw

        def load_idx_and_gather(i, sv, dv, buf, sem):
            off = ebase + i * CHUNK
            pltpu.sync_copy(src_hbm.at[pl.ds(off, CHUNK)], sv)
            pltpu.sync_copy(dst_hbm.at[pl.ds(off, CHUNK)], dv)
            pltpu.async_copy(x_hbm.at[sv], buf, sem)

        def consume(dv, buf, sem):
            pltpu.make_async_copy(x_hbm, buf, sem).wait()
            pltpu.sync_copy(buf, acc.at[dv], add=True)
            for k in range(CHUNK // LANES):
                dvec = dv[pl.ds(k * LANES, LANES)]
                plsc.addupdate_scatter(deg_v, [dvec], ones)

        load_idx_and_gather(0, src_a, dst_a, buf_a, sem_a)
        load_idx_and_gather(1, src_b, dst_b, buf_b, sem_b)

        def edge_step(t, carry):
            consume(dst_a, buf_a, sem_a)

            @pl.when(t + 1 < ITERS // 2)
            def _pf_a():
                load_idx_and_gather(2 * t + 2, src_a, dst_a, buf_a, sem_a)
            consume(dst_b, buf_b, sem_b)

            @pl.when(t + 1 < ITERS // 2)
            def _pf_b():
                load_idx_and_gather(2 * t + 3, src_b, dst_b, buf_b, sem_b)
            return carry
        lax.fori_loop(0, ITERS // 2, edge_step, 0)

        plsc.subcore_barrier()

        pltpu.sync_copy(deg_v, pdeg_hbm.at[cid, sid])
        pltpu.sync_copy(acc.at[pl.ds(sid * rpt, rpt)],
                        psum_hbm.at[cid, pl.ds(sid * rpt, rpt)])

    return agg(x, src, dst)


def _tc_finish(psum, pdeg, W, b2d):
    _, npad, d = psum.shape
    dout = W.shape[0]
    rblk = 1024
    grid = (npad // rblk,)

    def body(ps_ref, pd_ref, w_ref, b_ref, o_ref):
        s = ps_ref[0] + ps_ref[1]
        deg = jnp.sum(pd_ref[...], axis=(0, 1)).reshape(rblk, 1)
        mean = s / (deg + 1e-6)
        o_ref[...] = lax.dot_general(
            mean, w_ref[...], (((1,), (1,)), ((), ())),
            preferred_element_type=jnp.float32) + b_ref[...]

    return pl.pallas_call(
        body,
        grid=grid,
        in_specs=[
            pl.BlockSpec((NC, rblk, d), lambda i: (0, i, 0)),
            pl.BlockSpec((NC, NS, rblk), lambda i: (0, 0, i)),
            pl.BlockSpec((dout, d), lambda i: (0, 0)),
            pl.BlockSpec((1, dout), lambda i: (0, 0)),
        ],
        out_specs=pl.BlockSpec((rblk, dout), lambda i: (i, 0)),
        out_shape=jax.ShapeDtypeStruct((npad, dout), jnp.float32),
    )(psum, pdeg, W, b2d)


@jax.jit
def kernel(x, edge_index, W, b):
    n = x.shape[0]
    e = edge_index.shape[1]
    epad = NW * ITERS * CHUNK
    dst = edge_index[0].astype(jnp.int32)
    src = edge_index[1].astype(jnp.int32)
    src_p = jnp.concatenate([src, jnp.zeros((epad - e,), jnp.int32)])
    dst_p = jnp.concatenate([dst, jnp.full((epad - e,), n, jnp.int32)])
    psum, pdeg = _sc_aggregate(x, src_p, dst_p)
    out = _tc_finish(psum, pdeg, W, b.reshape(1, -1))
    return out[:n]

# --- scband reference (transcript-rebuilt; emitter-appended) ---
"""Pipeline reference for scband-sageconvolution-8718783611327 (READ-ONLY COPY).

The authoritative reference and input builder live on the scoring server;
editing this copy changes nothing except your own understanding.
"""

import jax, jax.numpy as jnp
import numpy as np

N_NODES = 10000
N_EDGES = 320000
D_IN = 128
D_OUT = 128

def setup_inputs(seed: int = 0) -> dict:
    key = jax.random.key(seed)
    k1, k2, k3, k4 = jax.random.split(key, 4)
    x = jax.random.normal(k1, (N_NODES, D_IN), dtype=jnp.float32)
    edge_index = jax.random.randint(k2, (2, N_EDGES), 0, N_NODES, dtype=jnp.int64)
    # nn.Linear(in_features, out_features) params
    bound = 1.0 / np.sqrt(D_IN)
    W = jax.random.uniform(k3, (D_OUT, D_IN), dtype=jnp.float32, minval=-bound, maxval=bound)
    b = jax.random.uniform(k4, (D_OUT,), dtype=jnp.float32, minval=-bound, maxval=bound)
    return {"x": x, "edge_index": edge_index, "W": W, "b": b}

def reference(x, edge_index, W, b):
    # adj is a binary sparse [N, N] matrix represented as edge_index (dst, src) COO.
    # sample_neighbors is treated as identity (pass-through of the given edges).
    dst = edge_index[0]
    src = edge_index[1]
    msg = jnp.take(x, src, axis=0)                       # gather: x[src]
    summed = jax.ops.segment_sum(msg, dst, num_segments=x.shape[0])   # spmm(adj, x)
    ones_msg = jnp.ones_like(msg)
    deg = jax.ops.segment_sum(ones_msg, dst, num_segments=x.shape[0]) # spmm(adj, ones)
    neighbor_mean = summed / (deg + 1e-06)
    out = neighbor_mean @ W.T + b                        # nn.Linear
    return out

if __name__ == "__main__":
    import jax
    _d = setup_inputs()
    print(jax.jit(kernel)(*tuple(_d.values())))

</pallas_src>

<mosaic_0001>
#map = affine_map<(d0, d1) -> (0, 0)>
#map1 = affine_map<(d0, d1) -> (0)>
#map2 = affine_map<(d0, d1) -> (0, 0, 0)>
module attributes {stable_mosaic.version = 14 : i64} {
  func.func @agg(%arg0: i32, %arg1: i32, %arg2: memref<10000x128xf32, #tpu.memory_space<hbm>>, %arg3: memref<325632xi32, #tpu.memory_space<hbm>>, %arg4: memref<325632xi32, #tpu.memory_space<hbm>>, %arg5: memref<2x10240x128xf32, #tpu.memory_space<hbm>>, %arg6: memref<2x16x10240xf32, #tpu.memory_space<hbm>>, %arg7: memref<96xi32, #tpu.memory_space<vmem>>, %arg8: memref<96xi32, #tpu.memory_space<vmem>>, %arg9: memref<96xi32, #tpu.memory_space<vmem>>, %arg10: memref<96xi32, #tpu.memory_space<vmem>>, %arg11: memref<96x128xf32, #tpu.memory_space<vmem>>, %arg12: memref<96x128xf32, #tpu.memory_space<vmem>>, %arg13: memref<10240xf32, #tpu.memory_space<vmem>>, %arg14: memref<10240x128xf32, #tpu.memory_space<vmem_shared>>, %arg15: memref<!tpu.dma_semaphore, #tpu.memory_space<semaphore_mem>>, %arg16: memref<!tpu.dma_semaphore, #tpu.memory_space<semaphore_mem>>) attributes {dimension_semantics = [#tpu.dimension_semantics<core_parallel>, #tpu.dimension_semantics<subcore_parallel>], iteration_bounds = array<i64: 2, 16>, scalar_prefetch = 0 : i64, scratch_operands = 10 : i64, tpu.core_type = #tpu.core_type<sc_vector_subcore>, window_params = [{transform_indices = #map}, {transform_indices = #map1}, {transform_indices = #map1}, {transform_indices = #map2}, {transform_indices = #map2}]} {
    %mul3A = arith.constant 2 : i32
    %mul3A_0 = arith.muli %arg1, %mul3A : i32
    %add3A = arith.addi %mul3A_0, %arg0 : i32
    %broadcast_in_dim3A = arith.constant 0.000000e+00 : f32
    %broadcast_in_dim3A_1 = vector.broadcast %broadcast_in_dim3A : f32 to vector<16xf32>
    %broadcast_in_dim3A_2 = arith.constant 1.000000e+00 : f32
    %broadcast_in_dim3A_3 = vector.broadcast %broadcast_in_dim3A_2 : f32 to vector<16xf32>
    %scan3A = arith.constant 0 : i32
    %scan3A_4 = arith.constant 0 : i32
    %scan3A_5 = arith.constant 640 : i32
    %scan3A_6 = arith.addi %scan3A_4, %scan3A_5 : i32
    %scan3A_7 = arith.constant 1 : i32
    scf.for %scan3A_77 = %scan3A_4 to %scan3A_6 step %scan3A_7  : i32 {
      %mul3A_78 = arith.constant 16 : i32
      %mul3A_79 = arith.muli %scan3A_77, %mul3A_78 : i32
      %swap3A = arith.index_cast %mul3A_79 : i32 to index
      %swap3A_80 = tpu.vector_load %arg13[%swap3A] {strides = array<i32>} : memref<10240xf32, #tpu.memory_space<vmem>>, vector<16xf32>,
      tpu.vector_store %arg13[%swap3A], %broadcast_in_dim3A_1 {strides = array<i32>} : memref<10240xf32, #tpu.memory_space<vmem>>, vector<16xf32>,
    }
    %scan3A_8 = arith.constant 640 : i32
    %scan3A_9 = arith.constant 0 : i32
    %scan3A_10 = arith.constant 0 : i32
    %scan3A_11 = arith.constant 96 : i32
    %scan3A_12 = arith.addi %scan3A_10, %scan3A_11 : i32
    %scan3A_13 = arith.constant 1 : i32
    scf.for %scan3A_77 = %scan3A_10 to %scan3A_12 step %scan3A_13  : i32 {
      %swap3A = arith.index_cast %scan3A_77 : i32 to index
      %swap3A_78 = arith.constant 0 : index
      %swap3A_79 = tpu.vector_load %arg11[%swap3A, %swap3A_78] {strides = array<i32>} : memref<96x128xf32, #tpu.memory_space<vmem>>, vector<16xf32>,
      tpu.vector_store %arg11[%swap3A, %swap3A_78], %broadcast_in_dim3A_1 {strides = array<i32>} : memref<96x128xf32, #tpu.memory_space<vmem>>, vector<16xf32>,
      %swap3A_80 = arith.index_cast %scan3A_77 : i32 to index
      %swap3A_81 = arith.constant 16 : index
      %swap3A_82 = tpu.vector_load %arg11[%swap3A_80, %swap3A_81] {strides = array<i32>} : memref<96x128xf32, #tpu.memory_space<vmem>>, vector<16xf32>,
      tpu.vector_store %arg11[%swap3A_80, %swap3A_81], %broadcast_in_dim3A_1 {strides = array<i32>} : memref<96x128xf32, #tpu.memory_space<vmem>>, vector<16xf32>,
      %swap3A_83 = arith.index_cast %scan3A_77 : i32 to index
      %swap3A_84 = arith.constant 32 : index
      %swap3A_85 = tpu.vector_load %arg11[%swap3A_83, %swap3A_84] {strides = array<i32>} : memref<96x128xf32, #tpu.memory_space<vmem>>, vector<16xf32>,
      tpu.vector_store %arg11[%swap3A_83, %swap3A_84], %broadcast_in_dim3A_1 {strides = array<i32>} : memref<96x128xf32, #tpu.memory_space<vmem>>, vector<16xf32>,
      %swap3A_86 = arith.index_cast %scan3A_77 : i32 to index
      %swap3A_87 = arith.constant 48 : index
      %swap3A_88 = tpu.vector_load %arg11[%swap3A_86, %swap3A_87] {strides = array<i32>} : memref<96x128xf32, #tpu.memory_space<vmem>>, vector<16xf32>,
      tpu.vector_store %arg11[%swap3A_86, %swap3A_87], %broadcast_in_dim3A_1 {strides = array<i32>} : memref<96x128xf32, #tpu.memory_space<vmem>>, vector<16xf32>,
      %swap3A_89 = arith.index_cast %scan3A_77 : i32 to index
      %swap3A_90 = arith.constant 64 : index
      %swap3A_91 = tpu.vector_load %arg11[%swap3A_89, %swap3A_90] {strides = array<i32>} : memref<96x128xf32, #tpu.memory_space<vmem>>, vector<16xf32>,
      tpu.vector_store %arg11[%swap3A_89, %swap3A_90], %broadcast_in_dim3A_1 {strides = array<i32>} : memref<96x128xf32, #tpu.memory_space<vmem>>, vector<16xf32>,
      %swap3A_92 = arith.index_cast %scan3A_77 : i32 to index
      %swap3A_93 = arith.constant 80 : index
      %swap3A_94 = tpu.vector_load %arg11[%swap3A_92, %swap3A_93] {strides = array<i32>} : memref<96x128xf32, #tpu.memory_space<vmem>>, vector<16xf32>,
      tpu.vector_store %arg11[%swap3A_92, %swap3A_93], %broadcast_in_dim3A_1 {strides = array<i32>} : memref<96x128xf32, #tpu.memory_space<vmem>>, vector<16xf32>,
      %swap3A_95 = arith.index_cast %scan3A_77 : i32 to index
      %swap3A_96 = arith.constant 96 : index
      %swap3A_97 = tpu.vector_load %arg11[%swap3A_95, %swap3A_96] {strides = array<i32>} : memref<96x128xf32, #tpu.memory_space<vmem>>, vector<16xf32>,
      tpu.vector_store %arg11[%swap3A_95, %swap3A_96], %broadcast_in_dim3A_1 {strides = array<i32>} : memref<96x128xf32, #tpu.memory_space<vmem>>, vector<16xf32>,
      %swap3A_98 = arith.index_cast %scan3A_77 : i32 to index
      %swap3A_99 = arith.constant 112 : index
      %swap3A_100 = tpu.vector_load %arg11[%swap3A_98, %swap3A_99] {strides = array<i32>} : memref<96x128xf32, #tpu.memory_space<vmem>>, vector<16xf32>,
      tpu.vector_store %arg11[%swap3A_98, %swap3A_99], %broadcast_in_dim3A_1 {strides = array<i32>} : memref<96x128xf32, #tpu.memory_space<vmem>>, vector<16xf32>,
    }
    %scan3A_14 = arith.constant 96 : i32
    %mul3A_15 = arith.constant 640 : i32
    %mul3A_16 = arith.muli %arg1, %mul3A_15 : i32
    %add3A_17 = arith.constant 0 : i32
    %add3A_18 = arith.addi %mul3A_16, %add3A_17 : i32
    "tpu.region"() ({
      %run_scoped3A = tpu.sem_alloc : memref<!tpu.dma_semaphore, #tpu.memory_space<semaphore_mem>>
      %dma_start3A_77 = arith.constant 0 : i32
      %dma_start3A_78 = arith.constant 0 : i32
      %dma_start3A_79 = tpu.memref_slice %arg11[%dma_start3A_77, %dma_start3A_78] : memref<96x128xf32, #tpu.memory_space<vmem>> -> memref<64x128xf32, #tpu.memory_space<vmem>>
      %dma_start3A_80 = arith.constant 0 : i32
      %dma_start3A_81 = tpu.memref_slice %arg14[%add3A_18, %dma_start3A_80] : memref<10240x128xf32, #tpu.memory_space<vmem_shared>> -> memref<64x128xf32, #tpu.memory_space<vmem_shared>>
      %dma_start3A_82 = arith.constant 0 : i32
      %dma_start3A_83 = tpu.memref_slice %arg14[%add3A_18, %dma_start3A_82] : memref<10240x128xf32, #tpu.memory_space<vmem_shared>> -> memref<64x128xf32, #tpu.memory_space<vmem_shared>>
      %dma_start3A_84 = arith.constant 0 : i32
      %dma_start3A_85 = arith.constant 0 : i32
      %dma_start3A_86 = tpu.memref_slice %arg11[%dma_start3A_84, %dma_start3A_85] : memref<96x128xf32, #tpu.memory_space<vmem>> -> memref<64x128xf32, #tpu.memory_space<vmem>>
      tpu.enqueue_dma source(%dma_start3A_86 : memref<64x128xf32, #tpu.memory_space<vmem>>) target(%dma_start3A_83 : memref<64x128xf32, #tpu.memory_space<vmem_shared>>) target_semaphore(%run_scoped3A : memref<!tpu.dma_semaphore, #tpu.memory_space<semaphore_mem>>)
      %dma_wait3A = arith.constant 0 : i32
      %dma_wait3A_87 = arith.constant 0 : i32
      %dma_wait3A_88 = tpu.memref_slice %arg11[%dma_wait3A, %dma_wait3A_87] : memref<96x128xf32, #tpu.memory_space<vmem>> -> memref<64x128xf32, #tpu.memory_space<vmem>>
      %dma_wait3A_89 = arith.constant 0 : i32
      %dma_wait3A_90 = tpu.memref_slice %arg14[%add3A_18, %dma_wait3A_89] : memref<10240x128xf32, #tpu.memory_space<vmem_shared>> -> memref<64x128xf32, #tpu.memory_space<vmem_shared>>
      %dma_wait3A_91 = arith.constant 0 : i32
      %dma_wait3A_92 = tpu.memref_slice %arg14[%add3A_18, %dma_wait3A_91] : memref<10240x128xf32, #tpu.memory_space<vmem_shared>> -> memref<64x128xf32, #tpu.memory_space<vmem_shared>>
      %dma_wait3A_93 = arith.constant 0 : i32
      %dma_wait3A_94 = arith.constant 0 : i32
      %dma_wait3A_95 = tpu.memref_slice %arg11[%dma_wait3A_93, %dma_wait3A_94] : memref<96x128xf32, #tpu.memory_space<vmem>> -> memref<64x128xf32, #tpu.memory_space<vmem>>
      tpu.wait_dma2 semaphore(%run_scoped3A : memref<!tpu.dma_semaphore, #tpu.memory_space<semaphore_mem>>) src(%dma_wait3A_95 : memref<64x128xf32, #tpu.memory_space<vmem>>) dst(%dma_wait3A_92 : memref<64x128xf32, #tpu.memory_space<vmem_shared>>)
      tpu.yield
    }) : () -> ()
    %mul3A_19 = arith.constant 640 : i32
    %mul3A_20 = arith.muli %arg1, %mul3A_19 : i32
    %add3A_21 = arith.constant 64 : i32
    %add3A_22 = arith.addi %mul3A_20, %add3A_21 : i32
    "tpu.region"() ({
      %run_scoped3A = tpu.sem_alloc : memref<!tpu.dma_semaphore, #tpu.memory_space<semaphore_mem>>
      %dma_start3A_77 = arith.constant 0 : i32
      %dma_start3A_78 = arith.constant 0 : i32
      %dma_start3A_79 = tpu.memref_slice %arg11[%dma_start3A_77, %dma_start3A_78] : memref<96x128xf32, #tpu.memory_space<vmem>> -> memref<64x128xf32, #tpu.memory_space<vmem>>
      %dma_start3A_80 = arith.constant 0 : i32
      %dma_start3A_81 = tpu.memref_slice %arg14[%add3A_22, %dma_start3A_80] : memref<10240x128xf32, #tpu.memory_space<vmem_shared>> -> memref<64x128xf32, #tpu.memory_space<vmem_shared>>
      %dma_start3A_82 = arith.constant 0 : i32
      %dma_start3A_83 = tpu.memref_slice %arg14[%add3A_22, %dma_start3A_82] : memref<10240x128xf32, #tpu.memory_space<vmem_shared>> -> memref<64x128xf32, #tpu.memory_space<vmem_shared>>
      %dma_start3A_84 = arith.constant 0 : i32
      %dma_start3A_85 = arith.constant 0 : i32
      %dma_start3A_86 = tpu.memref_slice %arg11[%dma_start3A_84, %dma_start3A_85] : memref<96x128xf32, #tpu.memory_space<vmem>> -> memref<64x128xf32, #tpu.memory_space<vmem>>
      tpu.enqueue_dma source(%dma_start3A_86 : memref<64x128xf32, #tpu.memory_space<vmem>>) target(%dma_start3A_83 : memref<64x128xf32, #tpu.memory_space<vmem_shared>>) target_semaphore(%run_scoped3A : memref<!tpu.dma_semaphore, #tpu.memory_space<semaphore_mem>>)
      %dma_wait3A = arith.constant 0 : i32
      %dma_wait3A_87 = arith.constant 0 : i32
      %dma_wait3A_88 = tpu.memref_slice %arg11[%dma_wait3A, %dma_wait3A_87] : memref<96x128xf32, #tpu.memory_space<vmem>> -> memref<64x128xf32, #tpu.memory_space<vmem>>
      %dma_wait3A_89 = arith.constant 0 : i32
      %dma_wait3A_90 = tpu.memref_slice %arg14[%add3A_22, %dma_wait3A_89] : memref<10240x128xf32, #tpu.memory_space<vmem_shared>> -> memref<64x128xf32, #tpu.memory_space<vmem_shared>>
      %dma_wait3A_91 = arith.constant 0 : i32
      %dma_wait3A_92 = tpu.memref_slice %arg14[%add3A_22, %dma_wait3A_91] : memref<10240x128xf32, #tpu.memory_space<vmem_shared>> -> memref<64x128xf32, #tpu.memory_space<vmem_shared>>
      %dma_wait3A_93 = arith.constant 0 : i32
      %dma_wait3A_94 = arith.constant 0 : i32
      %dma_wait3A_95 = tpu.memref_slice %arg11[%dma_wait3A_93, %dma_wait3A_94] : memref<96x128xf32, #tpu.memory_space<vmem>> -> memref<64x128xf32, #tpu.memory_space<vmem>>
      tpu.wait_dma2 semaphore(%run_scoped3A : memref<!tpu.dma_semaphore, #tpu.memory_space<semaphore_mem>>) src(%dma_wait3A_95 : memref<64x128xf32, #tpu.memory_space<vmem>>) dst(%dma_wait3A_92 : memref<64x128xf32, #tpu.memory_space<vmem_shared>>)
      tpu.yield
    }) : () -> ()
    %mul3A_23 = arith.constant 640 : i32
    %mul3A_24 = arith.muli %arg1, %mul3A_23 : i32
    %add3A_25 = arith.constant 128 : i32
    %add3A_26 = arith.addi %mul3A_24, %add3A_25 : i32
    "tpu.region"() ({
      %run_scoped3A = tpu.sem_alloc : memref<!tpu.dma_semaphore, #tpu.memory_space<semaphore_mem>>
      %dma_start3A_77 = arith.constant 0 : i32
      %dma_start3A_78 = arith.constant 0 : i32
      %dma_start3A_79 = tpu.memref_slice %arg11[%dma_start3A_77, %dma_start3A_78] : memref<96x128xf32, #tpu.memory_space<vmem>> -> memref<64x128xf32, #tpu.memory_space<vmem>>
      %dma_start3A_80 = arith.constant 0 : i32
      %dma_start3A_81 = tpu.memref_slice %arg14[%add3A_26, %dma_start3A_80] : memref<10240x128xf32, #tpu.memory_space<vmem_shared>> -> memref<64x128xf32, #tpu.memory_space<vmem_shared>>
      %dma_start3A_82 = arith.constant 0 : i32
      %dma_start3A_83 = tpu.memref_slice %arg14[%add3A_26, %dma_start3A_82] : memref<10240x128xf32, #tpu.memory_space<vmem_shared>> -> memref<64x128xf32, #tpu.memory_space<vmem_shared>>
      %dma_start3A_84 = arith.constant 0 : i32
      %dma_start3A_85 = arith.constant 0 : i32
      %dma_start3A_86 = tpu.memref_slice %arg11[%dma_start3A_84, %dma_start3A_85] : memref<96x128xf32, #tpu.memory_space<vmem>> -> memref<64x128xf32, #tpu.memory_space<vmem>>
      tpu.enqueue_dma source(%dma_start3A_86 : memref<64x128xf32, #tpu.memory_space<vmem>>) target(%dma_start3A_83 : memref<64x128xf32, #tpu.memory_space<vmem_shared>>) target_semaphore(%run_scoped3A : memref<!tpu.dma_semaphore, #tpu.memory_space<semaphore_mem>>)
      %dma_wait3A = arith.constant 0 : i32
      %dma_wait3A_87 = arith.constant 0 : i32
      %dma_wait3A_88 = tpu.memref_slice %arg11[%dma_wait3A, %dma_wait3A_87] : memref<96x128xf32, #tpu.memory_space<vmem>> -> memref<64x128xf32, #tpu.memory_space<vmem>>
      %dma_wait3A_89 = arith.constant 0 : i32
      %dma_wait3A_90 = tpu.memref_slice %arg14[%add3A_26, %dma_wait3A_89] : memref<10240x128xf32, #tpu.memory_space<vmem_shared>> -> memref<64x128xf32, #tpu.memory_space<vmem_shared>>
      %dma_wait3A_91 = arith.constant 0 : i32
      %dma_wait3A_92 = tpu.memref_slice %arg14[%add3A_26, %dma_wait3A_91] : memref<10240x128xf32, #tpu.memory_space<vmem_shared>> -> memref<64x128xf32, #tpu.memory_space<vmem_shared>>
      %dma_wait3A_93 = arith.constant 0 : i32
      %dma_wait3A_94 = arith.constant 0 : i32
      %dma_wait3A_95 = tpu.memref_slice %arg11[%dma_wait3A_93, %dma_wait3A_94] : memref<96x128xf32, #tpu.memory_space<vmem>> -> memref<64x128xf32, #tpu.memory_space<vmem>>
      tpu.wait_dma2 semaphore(%run_scoped3A : memref<!tpu.dma_semaphore, #tpu.memory_space<semaphore_mem>>) src(%dma_wait3A_95 : memref<64x128xf32, #tpu.memory_space<vmem>>) dst(%dma_wait3A_92 : memref<64x128xf32, #tpu.memory_space<vmem_shared>>)
      tpu.yield
    }) : () -> ()
    %mul3A_27 = arith.constant 640 : i32
    %mul3A_28 = arith.muli %arg1, %mul3A_27 : i32
    %add3A_29 = arith.constant 192 : i32
    %add3A_30 = arith.addi %mul3A_28, %add3A_29 : i32
    "tpu.region"() ({
      %run_scoped3A = tpu.sem_alloc : memref<!tpu.dma_semaphore, #tpu.memory_space<semaphore_mem>>
      %dma_start3A_77 = arith.constant 0 : i32
      %dma_start3A_78 = arith.constant 0 : i32
      %dma_start3A_79 = tpu.memref_slice %arg11[%dma_start3A_77, %dma_start3A_78] : memref<96x128xf32, #tpu.memory_space<vmem>> -> memref<64x128xf32, #tpu.memory_space<vmem>>
      %dma_start3A_80 = arith.constant 0 : i32
      %dma_start3A_81 = tpu.memref_slice %arg14[%add3A_30, %dma_start3A_80] : memref<10240x128xf32, #tpu.memory_space<vmem_shared>> -> memref<64x128xf32, #tpu.memory_space<vmem_shared>>
      %dma_start3A_82 = arith.constant 0 : i32
      %dma_start3A_83 = tpu.memref_slice %arg14[%add3A_30, %dma_start3A_82] : memref<10240x128xf32, #tpu.memory_space<vmem_shared>> -> memref<64x128xf32, #tpu.memory_space<vmem_shared>>
      %dma_start3A_84 = arith.constant 0 : i32
      %dma_start3A_85 = arith.constant 0 : i32
      %dma_start3A_86 = tpu.memref_slice %arg11[%dma_start3A_84, %dma_start3A_85] : memref<96x128xf32, #tpu.memory_space<vmem>> -> memref<64x128xf32, #tpu.memory_space<vmem>>
      tpu.enqueue_dma source(%dma_start3A_86 : memref<64x128xf32, #tpu.memory_space<vmem>>) target(%dma_start3A_83 : memref<64x128xf32, #tpu.memory_space<vmem_shared>>) target_semaphore(%run_scoped3A : memref<!tpu.dma_semaphore, #tpu.memory_space<semaphore_mem>>)
      %dma_wait3A = arith.constant 0 : i32
      %dma_wait3A_87 = arith.constant 0 : i32
      %dma_wait3A_88 = tpu.memref_slice %arg11[%dma_wait3A, %dma_wait3A_87] : memref<96x128xf32, #tpu.memory_space<vmem>> -> memref<64x128xf32, #tpu.memory_space<vmem>>
      %dma_wait3A_89 = arith.constant 0 : i32
      %dma_wait3A_90 = tpu.memref_slice %arg14[%add3A_30, %dma_wait3A_89] : memref<10240x128xf32, #tpu.memory_space<vmem_shared>> -> memref<64x128xf32, #tpu.memory_space<vmem_shared>>
      %dma_wait3A_91 = arith.constant 0 : i32
      %dma_wait3A_92 = tpu.memref_slice %arg14[%add3A_30, %dma_wait3A_91] : memref<10240x128xf32, #tpu.memory_space<vmem_shared>> -> memref<64x128xf32, #tpu.memory_space<vmem_shared>>
      %dma_wait3A_93 = arith.constant 0 : i32
      %dma_wait3A_94 = arith.constant 0 : i32
      %dma_wait3A_95 = tpu.memref_slice %arg11[%dma_wait3A_93, %dma_wait3A_94] : memref<96x128xf32, #tpu.memory_space<vmem>> -> memref<64x128xf32, #tpu.memory_space<vmem>>
      tpu.wait_dma2 semaphore(%run_scoped3A : memref<!tpu.dma_semaphore, #tpu.memory_space<semaphore_mem>>) src(%dma_wait3A_95 : memref<64x128xf32, #tpu.memory_space<vmem>>) dst(%dma_wait3A_92 : memref<64x128xf32, #tpu.memory_space<vmem_shared>>)
      tpu.yield
    }) : () -> ()
    %mul3A_31 = arith.constant 640 : i32
    %mul3A_32 = arith.muli %arg1, %mul3A_31 : i32
    %add3A_33 = arith.constant 256 : i32
    %add3A_34 = arith.addi %mul3A_32, %add3A_33 : i32
    "tpu.region"() ({
      %run_scoped3A = tpu.sem_alloc : memref<!tpu.dma_semaphore, #tpu.memory_space<semaphore_mem>>
      %dma_start3A_77 = arith.constant 0 : i32
      %dma_start3A_78 = arith.constant 0 : i32
      %dma_start3A_79 = tpu.memref_slice %arg11[%dma_start3A_77, %dma_start3A_78] : memref<96x128xf32, #tpu.memory_space<vmem>> -> memref<64x128xf32, #tpu.memory_space<vmem>>
      %dma_start3A_80 = arith.constant 0 : i32
      %dma_start3A_81 = tpu.memref_slice %arg14[%add3A_34, %dma_start3A_80] : memref<10240x128xf32, #tpu.memory_space<vmem_shared>> -> memref<64x128xf32, #tpu.memory_space<vmem_shared>>
      %dma_start3A_82 = arith.constant 0 : i32
      %dma_start3A_83 = tpu.memref_slice %arg14[%add3A_34, %dma_start3A_82] : memref<10240x128xf32, #tpu.memory_space<vmem_shared>> -> memref<64x128xf32, #tpu.memory_space<vmem_shared>>
      %dma_start3A_84 = arith.constant 0 : i32
      %dma_start3A_85 = arith.constant 0 : i32
      %dma_start3A_86 = tpu.memref_slice %arg11[%dma_start3A_84, %dma_start3A_85] : memref<96x128xf32, #tpu.memory_space<vmem>> -> memref<64x128xf32, #tpu.memory_space<vmem>>
      tpu.enqueue_dma source(%dma_start3A_86 : memref<64x128xf32, #tpu.memory_space<vmem>>) target(%dma_start3A_83 : memref<64x128xf32, #tpu.memory_space<vmem_shared>>) target_semaphore(%run_scoped3A : memref<!tpu.dma_semaphore, #tpu.memory_space<semaphore_mem>>)
      %dma_wait3A = arith.constant 0 : i32
      %dma_wait3A_87 = arith.constant 0 : i32
      %dma_wait3A_88 = tpu.memref_slice %arg11[%dma_wait3A, %dma_wait3A_87] : memref<96x128xf32, #tpu.memory_space<vmem>> -> memref<64x128xf32, #tpu.memory_space<vmem>>
      %dma_wait3A_89 = arith.constant 0 : i32
      %dma_wait3A_90 = tpu.memref_slice %arg14[%add3A_34, %dma_wait3A_89] : memref<10240x128xf32, #tpu.memory_space<vmem_shared>> -> memref<64x128xf32, #tpu.memory_space<vmem_shared>>
      %dma_wait3A_91 = arith.constant 0 : i32
      %dma_wait3A_92 = tpu.memref_slice %arg14[%add3A_34, %dma_wait3A_91] : memref<10240x128xf32, #tpu.memory_space<vmem_shared>> -> memref<64x128xf32, #tpu.memory_space<vmem_shared>>
      %dma_wait3A_93 = arith.constant 0 : i32
      %dma_wait3A_94 = arith.constant 0 : i32
      %dma_wait3A_95 = tpu.memref_slice %arg11[%dma_wait3A_93, %dma_wait3A_94] : memref<96x128xf32, #tpu.memory_space<vmem>> -> memref<64x128xf32, #tpu.memory_space<vmem>>
      tpu.wait_dma2 semaphore(%run_scoped3A : memref<!tpu.dma_semaphore, #tpu.memory_space<semaphore_mem>>) src(%dma_wait3A_95 : memref<64x128xf32, #tpu.memory_space<vmem>>) dst(%dma_wait3A_92 : memref<64x128xf32, #tpu.memory_space<vmem_shared>>)
      tpu.yield
    }) : () -> ()
    %mul3A_35 = arith.constant 640 : i32
    %mul3A_36 = arith.muli %arg1, %mul3A_35 : i32
    %add3A_37 = arith.constant 320 : i32
    %add3A_38 = arith.addi %mul3A_36, %add3A_37 : i32
    "tpu.region"() ({
      %run_scoped3A = tpu.sem_alloc : memref<!tpu.dma_semaphore, #tpu.memory_space<semaphore_mem>>
      %dma_start3A_77 = arith.constant 0 : i32
      %dma_start3A_78 = arith.constant 0 : i32
      %dma_start3A_79 = tpu.memref_slice %arg11[%dma_start3A_77, %dma_start3A_78] : memref<96x128xf32, #tpu.memory_space<vmem>> -> memref<64x128xf32, #tpu.memory_space<vmem>>
      %dma_start3A_80 = arith.constant 0 : i32
      %dma_start3A_81 = tpu.memref_slice %arg14[%add3A_38, %dma_start3A_80] : memref<10240x128xf32, #tpu.memory_space<vmem_shared>> -> memref<64x128xf32, #tpu.memory_space<vmem_shared>>
      %dma_start3A_82 = arith.constant 0 : i32
      %dma_start3A_83 = tpu.memref_slice %arg14[%add3A_38, %dma_start3A_82] : memref<10240x128xf32, #tpu.memory_space<vmem_shared>> -> memref<64x128xf32, #tpu.memory_space<vmem_shared>>
      %dma_start3A_84 = arith.constant 0 : i32
      %dma_start3A_85 = arith.constant 0 : i32
      %dma_start3A_86 = tpu.memref_slice %arg11[%dma_start3A_84, %dma_start3A_85] : memref<96x128xf32, #tpu.memory_space<vmem>> -> memref<64x128xf32, #tpu.memory_space<vmem>>
      tpu.enqueue_dma source(%dma_start3A_86 : memref<64x128xf32, #tpu.memory_space<vmem>>) target(%dma_start3A_83 : memref<64x128xf32, #tpu.memory_space<vmem_shared>>) target_semaphore(%run_scoped3A : memref<!tpu.dma_semaphore, #tpu.memory_space<semaphore_mem>>)
      %dma_wait3A = arith.constant 0 : i32
      %dma_wait3A_87 = arith.constant 0 : i32
      %dma_wait3A_88 = tpu.memref_slice %arg11[%dma_wait3A, %dma_wait3A_87] : memref<96x128xf32, #tpu.memory_space<vmem>> -> memref<64x128xf32, #tpu.memory_space<vmem>>
      %dma_wait3A_89 = arith.constant 0 : i32
      %dma_wait3A_90 = tpu.memref_slice %arg14[%add3A_38, %dma_wait3A_89] : memref<10240x128xf32, #tpu.memory_space<vmem_shared>> -> memref<64x128xf32, #tpu.memory_space<vmem_shared>>
      %dma_wait3A_91 = arith.constant 0 : i32
      %dma_wait3A_92 = tpu.memref_slice %arg14[%add3A_38, %dma_wait3A_91] : memref<10240x128xf32, #tpu.memory_space<vmem_shared>> -> memref<64x128xf32, #tpu.memory_space<vmem_shared>>
      %dma_wait3A_93 = arith.constant 0 : i32
      %dma_wait3A_94 = arith.constant 0 : i32
      %dma_wait3A_95 = tpu.memref_slice %arg11[%dma_wait3A_93, %dma_wait3A_94] : memref<96x128xf32, #tpu.memory_space<vmem>> -> memref<64x128xf32, #tpu.memory_space<vmem>>
      tpu.wait_dma2 semaphore(%run_scoped3A : memref<!tpu.dma_semaphore, #tpu.memory_space<semaphore_mem>>) src(%dma_wait3A_95 : memref<64x128xf32, #tpu.memory_space<vmem>>) dst(%dma_wait3A_92 : memref<64x128xf32, #tpu.memory_space<vmem_shared>>)
      tpu.yield
    }) : () -> ()
    %mul3A_39 = arith.constant 640 : i32
    %mul3A_40 = arith.muli %arg1, %mul3A_39 : i32
    %add3A_41 = arith.constant 384 : i32
    %add3A_42 = arith.addi %mul3A_40, %add3A_41 : i32
    "tpu.region"() ({
      %run_scoped3A = tpu.sem_alloc : memref<!tpu.dma_semaphore, #tpu.memory_space<semaphore_mem>>
      %dma_start3A_77 = arith.constant 0 : i32
      %dma_start3A_78 = arith.constant 0 : i32
      %dma_start3A_79 = tpu.memref_slice %arg11[%dma_start3A_77, %dma_start3A_78] : memref<96x128xf32, #tpu.memory_space<vmem>> -> memref<64x128xf32, #tpu.memory_space<vmem>>
      %dma_start3A_80 = arith.constant 0 : i32
      %dma_start3A_81 = tpu.memref_slice %arg14[%add3A_42, %dma_start3A_80] : memref<10240x128xf32, #tpu.memory_space<vmem_shared>> -> memref<64x128xf32, #tpu.memory_space<vmem_shared>>
      %dma_start3A_82 = arith.constant 0 : i32
      %dma_start3A_83 = tpu.memref_slice %arg14[%add3A_42, %dma_start3A_82] : memref<10240x128xf32, #tpu.memory_space<vmem_shared>> -> memref<64x128xf32, #tpu.memory_space<vmem_shared>>
      %dma_start3A_84 = arith.constant 0 : i32
      %dma_start3A_85 = arith.constant 0 : i32
      %dma_start3A_86 = tpu.memref_slice %arg11[%dma_start3A_84, %dma_start3A_85] : memref<96x128xf32, #tpu.memory_space<vmem>> -> memref<64x128xf32, #tpu.memory_space<vmem>>
      tpu.enqueue_dma source(%dma_start3A_86 : memref<64x128xf32, #tpu.memory_space<vmem>>) target(%dma_start3A_83 : memref<64x128xf32, #tpu.memory_space<vmem_shared>>) target_semaphore(%run_scoped3A : memref<!tpu.dma_semaphore, #tpu.memory_space<semaphore_mem>>)
      %dma_wait3A = arith.constant 0 : i32
      %dma_wait3A_87 = arith.constant 0 : i32
      %dma_wait3A_88 = tpu.memref_slice %arg11[%dma_wait3A, %dma_wait3A_87] : memref<96x128xf32, #tpu.memory_space<vmem>> -> memref<64x128xf32, #tpu.memory_space<vmem>>
      %dma_wait3A_89 = arith.constant 0 : i32
      %dma_wait3A_90 = tpu.memref_slice %arg14[%add3A_42, %dma_wait3A_89] : memref<10240x128xf32, #tpu.memory_space<vmem_shared>> -> memref<64x128xf32, #tpu.memory_space<vmem_shared>>
      %dma_wait3A_91 = arith.constant 0 : i32
      %dma_wait3A_92 = tpu.memref_slice %arg14[%add3A_42, %dma_wait3A_91] : memref<10240x128xf32, #tpu.memory_space<vmem_shared>> -> memref<64x128xf32, #tpu.memory_space<vmem_shared>>
      %dma_wait3A_93 = arith.constant 0 : i32
      %dma_wait3A_94 = arith.constant 0 : i32
      %dma_wait3A_95 = tpu.memref_slice %arg11[%dma_wait3A_93, %dma_wait3A_94] : memref<96x128xf32, #tpu.memory_space<vmem>> -> memref<64x128xf32, #tpu.memory_space<vmem>>
      tpu.wait_dma2 semaphore(%run_scoped3A : memref<!tpu.dma_semaphore, #tpu.memory_space<semaphore_mem>>) src(%dma_wait3A_95 : memref<64x128xf32, #tpu.memory_space<vmem>>) dst(%dma_wait3A_92 : memref<64x128xf32, #tpu.memory_space<vmem_shared>>)
      tpu.yield
    }) : () -> ()
    %mul3A_43 = arith.constant 640 : i32
    %mul3A_44 = arith.muli %arg1, %mul3A_43 : i32
    %add3A_45 = arith.constant 448 : i32
    %add3A_46 = arith.addi %mul3A_44, %add3A_45 : i32
    "tpu.region"() ({
      %run_scoped3A = tpu.sem_alloc : memref<!tpu.dma_semaphore, #tpu.memory_space<semaphore_mem>>
      %dma_start3A_77 = arith.constant 0 : i32
      %dma_start3A_78 = arith.constant 0 : i32
      %dma_start3A_79 = tpu.memref_slice %arg11[%dma_start3A_77, %dma_start3A_78] : memref<96x128xf32, #tpu.memory_space<vmem>> -> memref<64x128xf32, #tpu.memory_space<vmem>>
      %dma_start3A_80 = arith.constant 0 : i32
      %dma_start3A_81 = tpu.memref_slice %arg14[%add3A_46, %dma_start3A_80] : memref<10240x128xf32, #tpu.memory_space<vmem_shared>> -> memref<64x128xf32, #tpu.memory_space<vmem_shared>>
      %dma_start3A_82 = arith.constant 0 : i32
      %dma_start3A_83 = tpu.memref_slice %arg14[%add3A_46, %dma_start3A_82] : memref<10240x128xf32, #tpu.memory_space<vmem_shared>> -> memref<64x128xf32, #tpu.memory_space<vmem_shared>>
      %dma_start3A_84 = arith.constant 0 : i32
      %dma_start3A_85 = arith.constant 0 : i32
      %dma_start3A_86 = tpu.memref_slice %arg11[%dma_start3A_84, %dma_start3A_85] : memref<96x128xf32, #tpu.memory_space<vmem>> -> memref<64x128xf32, #tpu.memory_space<vmem>>
      tpu.enqueue_dma source(%dma_start3A_86 : memref<64x128xf32, #tpu.memory_space<vmem>>) target(%dma_start3A_83 : memref<64x128xf32, #tpu.memory_space<vmem_shared>>) target_semaphore(%run_scoped3A : memref<!tpu.dma_semaphore, #tpu.memory_space<semaphore_mem>>)
      %dma_wait3A = arith.constant 0 : i32
      %dma_wait3A_87 = arith.constant 0 : i32
      %dma_wait3A_88 = tpu.memref_slice %arg11[%dma_wait3A, %dma_wait3A_87] : memref<96x128xf32, #tpu.memory_space<vmem>> -> memref<64x128xf32, #tpu.memory_space<vmem>>
      %dma_wait3A_89 = arith.constant 0 : i32
      %dma_wait3A_90 = tpu.memref_slice %arg14[%add3A_46, %dma_wait3A_89] : memref<10240x128xf32, #tpu.memory_space<vmem_shared>> -> memref<64x128xf32, #tpu.memory_space<vmem_shared>>
      %dma_wait3A_91 = arith.constant 0 : i32
      %dma_wait3A_92 = tpu.memref_slice %arg14[%add3A_46, %dma_wait3A_91] : memref<10240x128xf32, #tpu.memory_space<vmem_shared>> -> memref<64x128xf32, #tpu.memory_space<vmem_shared>>
      %dma_wait3A_93 = arith.constant 0 : i32
      %dma_wait3A_94 = arith.constant 0 : i32
      %dma_wait3A_95 = tpu.memref_slice %arg11[%dma_wait3A_93, %dma_wait3A_94] : memref<96x128xf32, #tpu.memory_space<vmem>> -> memref<64x128xf32, #tpu.memory_space<vmem>>
      tpu.wait_dma2 semaphore(%run_scoped3A : memref<!tpu.dma_semaphore, #tpu.memory_space<semaphore_mem>>) src(%dma_wait3A_95 : memref<64x128xf32, #tpu.memory_space<vmem>>) dst(%dma_wait3A_92 : memref<64x128xf32, #tpu.memory_space<vmem_shared>>)
      tpu.yield
    }) : () -> ()
    %mul3A_47 = arith.constant 640 : i32
    %mul3A_48 = arith.muli %arg1, %mul3A_47 : i32
    %add3A_49 = arith.constant 512 : i32
    %add3A_50 = arith.addi %mul3A_48, %add3A_49 : i32
    "tpu.region"() ({
      %run_scoped3A = tpu.sem_alloc : memref<!tpu.dma_semaphore, #tpu.memory_space<semaphore_mem>>
      %dma_start3A_77 = arith.constant 0 : i32
      %dma_start3A_78 = arith.constant 0 : i32
      %dma_start3A_79 = tpu.memref_slice %arg11[%dma_start3A_77, %dma_start3A_78] : memref<96x128xf32, #tpu.memory_space<vmem>> -> memref<64x128xf32, #tpu.memory_space<vmem>>
      %dma_start3A_80 = arith.constant 0 : i32
      %dma_start3A_81 = tpu.memref_slice %arg14[%add3A_50, %dma_start3A_80] : memref<10240x128xf32, #tpu.memory_space<vmem_shared>> -> memref<64x128xf32, #tpu.memory_space<vmem_shared>>
      %dma_start3A_82 = arith.constant 0 : i32
      %dma_start3A_83 = tpu.memref_slice %arg14[%add3A_50, %dma_start3A_82] : memref<10240x128xf32, #tpu.memory_space<vmem_shared>> -> memref<64x128xf32, #tpu.memory_space<vmem_shared>>
      %dma_start3A_84 = arith.constant 0 : i32
      %dma_start3A_85 = arith.constant 0 : i32
      %dma_start3A_86 = tpu.memref_slice %arg11[%dma_start3A_84, %dma_start3A_85] : memref<96x128xf32, #tpu.memory_space<vmem>> -> memref<64x128xf32, #tpu.memory_space<vmem>>
      tpu.enqueue_dma source(%dma_start3A_86 : memref<64x128xf32, #tpu.memory_space<vmem>>) target(%dma_start3A_83 : memref<64x128xf32, #tpu.memory_space<vmem_shared>>) target_semaphore(%run_scoped3A : memref<!tpu.dma_semaphore, #tpu.memory_space<semaphore_mem>>)
      %dma_wait3A = arith.constant 0 : i32
      %dma_wait3A_87 = arith.constant 0 : i32
      %dma_wait3A_88 = tpu.memref_slice %arg11[%dma_wait3A, %dma_wait3A_87] : memref<96x128xf32, #tpu.memory_space<vmem>> -> memref<64x128xf32, #tpu.memory_space<vmem>>
      %dma_wait3A_89 = arith.constant 0 : i32
      %dma_wait3A_90 = tpu.memref_slice %arg14[%add3A_50, %dma_wait3A_89] : memref<10240x128xf32, #tpu.memory_space<vmem_shared>> -> memref<64x128xf32, #tpu.memory_space<vmem_shared>>
      %dma_wait3A_91 = arith.constant 0 : i32
      %dma_wait3A_92 = tpu.memref_slice %arg14[%add3A_50, %dma_wait3A_91] : memref<10240x128xf32, #tpu.memory_space<vmem_shared>> -> memref<64x128xf32, #tpu.memory_space<vmem_shared>>
      %dma_wait3A_93 = arith.constant 0 : i32
      %dma_wait3A_94 = arith.constant 0 : i32
      %dma_wait3A_95 = tpu.memref_slice %arg11[%dma_wait3A_93, %dma_wait3A_94] : memref<96x128xf32, #tpu.memory_space<vmem>> -> memref<64x128xf32, #tpu.memory_space<vmem>>
      tpu.wait_dma2 semaphore(%run_scoped3A : memref<!tpu.dma_semaphore, #tpu.memory_space<semaphore_mem>>) src(%dma_wait3A_95 : memref<64x128xf32, #tpu.memory_space<vmem>>) dst(%dma_wait3A_92 : memref<64x128xf32, #tpu.memory_space<vmem_shared>>)
      tpu.yield
    }) : () -> ()
    %mul3A_51 = arith.constant 640 : i32
    %mul3A_52 = arith.muli %arg1, %mul3A_51 : i32
    %add3A_53 = arith.constant 576 : i32
    %add3A_54 = arith.addi %mul3A_52, %add3A_53 : i32
    "tpu.region"() ({
      %run_scoped3A = tpu.sem_alloc : memref<!tpu.dma_semaphore, #tpu.memory_space<semaphore_mem>>
      %dma_start3A_77 = arith.constant 0 : i32
      %dma_start3A_78 = arith.constant 0 : i32
      %dma_start3A_79 = tpu.memref_slice %arg11[%dma_start3A_77, %dma_start3A_78] : memref<96x128xf32, #tpu.memory_space<vmem>> -> memref<64x128xf32, #tpu.memory_space<vmem>>
      %dma_start3A_80 = arith.constant 0 : i32
      %dma_start3A_81 = tpu.memref_slice %arg14[%add3A_54, %dma_start3A_80] : memref<10240x128xf32, #tpu.memory_space<vmem_shared>> -> memref<64x128xf32, #tpu.memory_space<vmem_shared>>
      %dma_start3A_82 = arith.constant 0 : i32
      %dma_start3A_83 = tpu.memref_slice %arg14[%add3A_54, %dma_start3A_82] : memref<10240x128xf32, #tpu.memory_space<vmem_shared>> -> memref<64x128xf32, #tpu.memory_space<vmem_shared>>
      %dma_start3A_84 = arith.constant 0 : i32
      %dma_start3A_85 = arith.constant 0 : i32
      %dma_start3A_86 = tpu.memref_slice %arg11[%dma_start3A_84, %dma_start3A_85] : memref<96x128xf32, #tpu.memory_space<vmem>> -> memref<64x128xf32, #tpu.memory_space<vmem>>
      tpu.enqueue_dma source(%dma_start3A_86 : memref<64x128xf32, #tpu.memory_space<vmem>>) target(%dma_start3A_83 : memref<64x128xf32, #tpu.memory_space<vmem_shared>>) target_semaphore(%run_scoped3A : memref<!tpu.dma_semaphore, #tpu.memory_space<semaphore_mem>>)
      %dma_wait3A = arith.constant 0 : i32
      %dma_wait3A_87 = arith.constant 0 : i32
      %dma_wait3A_88 = tpu.memref_slice %arg11[%dma_wait3A, %dma_wait3A_87] : memref<96x128xf32, #tpu.memory_space<vmem>> -> memref<64x128xf32, #tpu.memory_space<vmem>>
      %dma_wait3A_89 = arith.constant 0 : i32
      %dma_wait3A_90 = tpu.memref_slice %arg14[%add3A_54, %dma_wait3A_89] : memref<10240x128xf32, #tpu.memory_space<vmem_shared>> -> memref<64x128xf32, #tpu.memory_space<vmem_shared>>
      %dma_wait3A_91 = arith.constant 0 : i32
      %dma_wait3A_92 = tpu.memref_slice %arg14[%add3A_54, %dma_wait3A_91] : memref<10240x128xf32, #tpu.memory_space<vmem_shared>> -> memref<64x128xf32, #tpu.memory_space<vmem_shared>>
      %dma_wait3A_93 = arith.constant 0 : i32
      %dma_wait3A_94 = arith.constant 0 : i32
      %dma_wait3A_95 = tpu.memref_slice %arg11[%dma_wait3A_93, %dma_wait3A_94] : memref<96x128xf32, #tpu.memory_space<vmem>> -> memref<64x128xf32, #tpu.memory_space<vmem>>
      tpu.wait_dma2 semaphore(%run_scoped3A : memref<!tpu.dma_semaphore, #tpu.memory_space<semaphore_mem>>) src(%dma_wait3A_95 : memref<64x128xf32, #tpu.memory_space<vmem>>) dst(%dma_wait3A_92 : memref<64x128xf32, #tpu.memory_space<vmem_shared>>)
      tpu.yield
    }) : () -> ()
    %barrier3A = arith.constant 0 : index
    tpu.barrier barrier_id(%barrier3A)
    %mul3A_55 = arith.constant 10176 : i32
    %mul3A_56 = arith.muli %add3A, %mul3A_55 : i32
    %add3A_57 = arith.constant 0 : i32
    %add3A_58 = arith.addi %mul3A_56, %add3A_57 : i32
    "tpu.region"() ({
      %run_scoped3A = tpu.sem_alloc : memref<!tpu.dma_semaphore, #tpu.memory_space<semaphore_mem>>
      %dma_start3A_77 = tpu.memref_slice %arg3[%add3A_58] : memref<325632xi32, #tpu.memory_space<hbm>> -> memref<96xi32, #tpu.memory_space<hbm>>
      %dma_start3A_78 = tpu.memref_slice %arg3[%add3A_58] : memref<325632xi32, #tpu.memory_space<hbm>> -> memref<96xi32, #tpu.memory_space<hbm>>
      tpu.enqueue_dma source(%dma_start3A_78 : memref<96xi32, #tpu.memory_space<hbm>>) target(%arg7 : memref<96xi32, #tpu.memory_space<vmem>>) target_semaphore(%run_scoped3A : memref<!tpu.dma_semaphore, #tpu.memory_space<semaphore_mem>>)
      %dma_wait3A = tpu.memref_slice %arg3[%add3A_58] : memref<325632xi32, #tpu.memory_space<hbm>> -> memref<96xi32, #tpu.memory_space<hbm>>
      %dma_wait3A_79 = tpu.memref_slice %arg3[%add3A_58] : memref<325632xi32, #tpu.memory_space<hbm>> -> memref<96xi32, #tpu.memory_space<hbm>>
      tpu.wait_dma2 semaphore(%run_scoped3A : memref<!tpu.dma_semaphore, #tpu.memory_space<semaphore_mem>>) src(%dma_wait3A_79 : memref<96xi32, #tpu.memory_space<hbm>>) dst(%arg7 : memref<96xi32, #tpu.memory_space<vmem>>)
      tpu.yield
    }) : () -> ()
    "tpu.region"() ({
      %run_scoped3A = tpu.sem_alloc : memref<!tpu.dma_semaphore, #tpu.memory_space<semaphore_mem>>
      %dma_start3A_77 = tpu.memref_slice %arg4[%add3A_58] : memref<325632xi32, #tpu.memory_space<hbm>> -> memref<96xi32, #tpu.memory_space<hbm>>
      %dma_start3A_78 = tpu.memref_slice %arg4[%add3A_58] : memref<325632xi32, #tpu.memory_space<hbm>> -> memref<96xi32, #tpu.memory_space<hbm>>
      tpu.enqueue_dma source(%dma_start3A_78 : memref<96xi32, #tpu.memory_space<hbm>>) target(%arg8 : memref<96xi32, #tpu.memory_space<vmem>>) target_semaphore(%run_scoped3A : memref<!tpu.dma_semaphore, #tpu.memory_space<semaphore_mem>>)
      %dma_wait3A = tpu.memref_slice %arg4[%add3A_58] : memref<325632xi32, #tpu.memory_space<hbm>> -> memref<96xi32, #tpu.memory_space<hbm>>
      %dma_wait3A_79 = tpu.memref_slice %arg4[%add3A_58] : memref<325632xi32, #tpu.memory_space<hbm>> -> memref<96xi32, #tpu.memory_space<hbm>>
      tpu.wait_dma2 semaphore(%run_scoped3A : memref<!tpu.dma_semaphore, #tpu.memory_space<semaphore_mem>>) src(%dma_wait3A_79 : memref<96xi32, #tpu.memory_space<hbm>>) dst(%arg8 : memref<96xi32, #tpu.memory_space<vmem>>)
      tpu.yield
    }) : () -> ()
    %dma_start3A = arith.constant 0 : i32
    %dma_start3A_59 = arith.constant 0 : i32
    %dma_start3A_60 = tpu.memref_slice %arg2[%dma_start3A, %dma_start3A_59] : memref<10000x128xf32, #tpu.memory_space<hbm>> -> memref<10000x128xf32, #tpu.memory_space<hbm>>
    tpu.enqueue_indirect_dma source(%dma_start3A_60 : memref<10000x128xf32, #tpu.memory_space<hbm>>) target(%arg11 : memref<96x128xf32, #tpu.memory_space<vmem>>) offsets(%arg7 : memref<96xi32, #tpu.memory_space<vmem>>) semaphore(%arg15 : memref<!tpu.dma_semaphore, #tpu.memory_space<semaphore_mem>>)
    %add3A_61 = arith.constant 96 : i32
    %add3A_62 = arith.addi %mul3A_56, %add3A_61 : i32
    "tpu.region"() ({
      %run_scoped3A = tpu.sem_alloc : memref<!tpu.dma_semaphore, #tpu.memory_space<semaphore_mem>>
      %dma_start3A_77 = tpu.memref_slice %arg3[%add3A_62] : memref<325632xi32, #tpu.memory_space<hbm>> -> memref<96xi32, #tpu.memory_space<hbm>>
      %dma_start3A_78 = tpu.memref_slice %arg3[%add3A_62] : memref<325632xi32, #tpu.memory_space<hbm>> -> memref<96xi32, #tpu.memory_space<hbm>>
      tpu.enqueue_dma source(%dma_start3A_78 : memref<96xi32, #tpu.memory_space<hbm>>) target(%arg9 : memref<96xi32, #tpu.memory_space<vmem>>) target_semaphore(%run_scoped3A : memref<!tpu.dma_semaphore, #tpu.memory_space<semaphore_mem>>)
      %dma_wait3A = tpu.memref_slice %arg3[%add3A_62] : memref<325632xi32, #tpu.memory_space<hbm>> -> memref<96xi32, #tpu.memory_space<hbm>>
      %dma_wait3A_79 = tpu.memref_slice %arg3[%add3A_62] : memref<325632xi32, #tpu.memory_space<hbm>> -> memref<96xi32, #tpu.memory_space<hbm>>
      tpu.wait_dma2 semaphore(%run_scoped3A : memref<!tpu.dma_semaphore, #tpu.memory_space<semaphore_mem>>) src(%dma_wait3A_79 : memref<96xi32, #tpu.memory_space<hbm>>) dst(%arg9 : memref<96xi32, #tpu.memory_space<vmem>>)
      tpu.yield
    }) : () -> ()
    "tpu.region"() ({
      %run_scoped3A = tpu.sem_alloc : memref<!tpu.dma_semaphore, #tpu.memory_space<semaphore_mem>>
      %dma_start3A_77 = tpu.memref_slice %arg4[%add3A_62] : memref<325632xi32, #tpu.memory_space<hbm>> -> memref<96xi32, #tpu.memory_space<hbm>>
      %dma_start3A_78 = tpu.memref_slice %arg4[%add3A_62] : memref<325632xi32, #tpu.memory_space<hbm>> -> memref<96xi32, #tpu.memory_space<hbm>>
      tpu.enqueue_dma source(%dma_start3A_78 : memref<96xi32, #tpu.memory_space<hbm>>) target(%arg10 : memref<96xi32, #tpu.memory_space<vmem>>) target_semaphore(%run_scoped3A : memref<!tpu.dma_semaphore, #tpu.memory_space<semaphore_mem>>)
      %dma_wait3A = tpu.memref_slice %arg4[%add3A_62] : memref<325632xi32, #tpu.memory_space<hbm>> -> memref<96xi32, #tpu.memory_space<hbm>>
      %dma_wait3A_79 = tpu.memref_slice %arg4[%add3A_62] : memref<325632xi32, #tpu.memory_space<hbm>> -> memref<96xi32, #tpu.memory_space<hbm>>
      tpu.wait_dma2 semaphore(%run_scoped3A : memref<!tpu.dma_semaphore, #tpu.memory_space<semaphore_mem>>) src(%dma_wait3A_79 : memref<96xi32, #tpu.memory_space<hbm>>) dst(%arg10 : memref<96xi32, #tpu.memory_space<vmem>>)
      tpu.yield
    }) : () -> ()
    %dma_start3A_63 = arith.constant 0 : i32
    %dma_start3A_64 = arith.constant 0 : i32
    %dma_start3A_65 = tpu.memref_slice %arg2[%dma_start3A_63, %dma_start3A_64] : memref<10000x128xf32, #tpu.memory_space<hbm>> -> memref<10000x128xf32, #tpu.memory_space<hbm>>
    tpu.enqueue_indirect_dma source(%dma_start3A_65 : memref<10000x128xf32, #tpu.memory_space<hbm>>) target(%arg12 : memref<96x128xf32, #tpu.memory_space<vmem>>) offsets(%arg9 : memref<96xi32, #tpu.memory_space<vmem>>) semaphore(%arg16 : memref<!tpu.dma_semaphore, #tpu.memory_space<semaphore_mem>>)
    %scan3A_66 = arith.constant 0 : i32
    %scan3A_67 = arith.constant 0 : i32
    %scan3A_68 = arith.constant 53 : i32
    %scan3A_69 = arith.addi %scan3A_67, %scan3A_68 : i32
    %scan3A_70 = arith.constant 1 : i32
    scf.for %scan3A_77 = %scan3A_67 to %scan3A_69 step %scan3A_70  : i32 {
      tpu.wait_dma2 semaphore(%arg15 : memref<!tpu.dma_semaphore, #tpu.memory_space<semaphore_mem>>) src(%arg2 : memref<10000x128xf32, #tpu.memory_space<hbm>>) dst(%arg11 : memref<96x128xf32, #tpu.memory_space<vmem>>)
      "tpu.region"() ({
        %run_scoped3A = tpu.sem_alloc : memref<!tpu.dma_semaphore, #tpu.memory_space<semaphore_mem>>
        %dma_start3A_112 = arith.constant 0 : i32
        %dma_start3A_113 = arith.constant 0 : i32
        %dma_start3A_114 = tpu.memref_slice %arg14[%dma_start3A_112, %dma_start3A_113] : memref<10240x128xf32, #tpu.memory_space<vmem_shared>> -> memref<10240x128xf32, #tpu.memory_space<vmem_shared>>
        tpu.enqueue_indirect_dma source(%arg11 : memref<96x128xf32, #tpu.memory_space<vmem>>) target(%dma_start3A_114 : memref<10240x128xf32, #tpu.memory_space<vmem_shared>>) offsets(%arg8 : memref<96xi32, #tpu.memory_space<vmem>>) semaphore(%run_scoped3A : memref<!tpu.dma_semaphore, #tpu.memory_space<semaphore_mem>>) {add = true}
        %dma_wait3A = arith.constant 0 : i32
        %dma_wait3A_115 = arith.constant 0 : i32
        %dma_wait3A_116 = tpu.memref_slice %arg14[%dma_wait3A, %dma_wait3A_115] : memref<10240x128xf32, #tpu.memory_space<vmem_shared>> -> memref<10240x128xf32, #tpu.memory_space<vmem_shared>>
        tpu.wait_indirect_dma semaphore(%run_scoped3A : memref<!tpu.dma_semaphore, #tpu.memory_space<semaphore_mem>>) src(%arg11 : memref<96x128xf32, #tpu.memory_space<vmem>>) dst(%dma_wait3A_116 : memref<10240x128xf32, #tpu.memory_space<vmem_shared>>)
        tpu.yield
      }) : () -> ()
      %get3A = arith.constant 0 : index
      %get3A_78 = tpu.vector_load %arg8[%get3A] {strides = array<i32>} : memref<96xi32, #tpu.memory_space<vmem>>, vector<16xi32>,
      tpu.vector_store_idx %arg13[%get3A_78], %broadcast_in_dim3A_3 {add = true} : memref<10240xf32, #tpu.memory_space<vmem>>[vector<16xi32>], vector<16xf32>,
      %get3A_79 = arith.constant 16 : index
      %get3A_80 = tpu.vector_load %arg8[%get3A_79] {strides = array<i32>} : memref<96xi32, #tpu.memory_space<vmem>>, vector<16xi32>,
      tpu.vector_store_idx %arg13[%get3A_80], %broadcast_in_dim3A_3 {add = true} : memref<10240xf32, #tpu.memory_space<vmem>>[vector<16xi32>], vector<16xf32>,
      %get3A_81 = arith.constant 32 : index
      %get3A_82 = tpu.vector_load %arg8[%get3A_81] {strides = array<i32>} : memref<96xi32, #tpu.memory_space<vmem>>, vector<16xi32>,
      tpu.vector_store_idx %arg13[%get3A_82], %broadcast_in_dim3A_3 {add = true} : memref<10240xf32, #tpu.memory_space<vmem>>[vector<16xi32>], vector<16xf32>,
      %get3A_83 = arith.constant 48 : index
      %get3A_84 = tpu.vector_load %arg8[%get3A_83] {strides = array<i32>} : memref<96xi32, #tpu.memory_space<vmem>>, vector<16xi32>,
      tpu.vector_store_idx %arg13[%get3A_84], %broadcast_in_dim3A_3 {add = true} : memref<10240xf32, #tpu.memory_space<vmem>>[vector<16xi32>], vector<16xf32>,
      %get3A_85 = arith.constant 64 : index
      %get3A_86 = tpu.vector_load %arg8[%get3A_85] {strides = array<i32>} : memref<96xi32, #tpu.memory_space<vmem>>, vector<16xi32>,
      tpu.vector_store_idx %arg13[%get3A_86], %broadcast_in_dim3A_3 {add = true} : memref<10240xf32, #tpu.memory_space<vmem>>[vector<16xi32>], vector<16xf32>,
      %get3A_87 = arith.constant 80 : index
      %get3A_88 = tpu.vector_load %arg8[%get3A_87] {strides = array<i32>} : memref<96xi32, #tpu.memory_space<vmem>>, vector<16xi32>,
      tpu.vector_store_idx %arg13[%get3A_88], %broadcast_in_dim3A_3 {add = true} : memref<10240xf32, #tpu.memory_space<vmem>>[vector<16xi32>], vector<16xf32>,
      %add3A_89 = arith.constant 1 : i32
      %add3A_90 = arith.addi %scan3A_77, %add3A_89 : i32
      %lt3A = arith.constant 53 : i32
      %lt3A_91 = arith.cmpi slt, %add3A_90, %lt3A : i32
      %convert_element_type3A = arith.extui %lt3A_91 : i1 to i32
      %cond3A = arith.constant 0 : i32
      %cond3A_92 = arith.cmpi ne, %convert_element_type3A, %cond3A : i32
      scf.if %cond3A_92 {
        %mul3A_112 = arith.constant 2 : i32
        %mul3A_113 = arith.muli %mul3A_112, %scan3A_77 : i32
        %add3A_114 = arith.constant 2 : i32
        %add3A_115 = arith.addi %mul3A_113, %add3A_114 : i32
        %mul3A_116 = arith.constant 96 : i32
        %mul3A_117 = arith.muli %add3A_115, %mul3A_116 : i32
        %add3A_118 = arith.addi %mul3A_56, %mul3A_117 : i32
        "tpu.region"() ({
          %run_scoped3A = tpu.sem_alloc : memref<!tpu.dma_semaphore, #tpu.memory_space<semaphore_mem>>
          %dma_start3A_122 = tpu.memref_slice %arg3[%add3A_118] : memref<325632xi32, #tpu.memory_space<hbm>> -> memref<96xi32, #tpu.memory_space<hbm>>
          %dma_start3A_123 = tpu.memref_slice %arg3[%add3A_118] : memref<325632xi32, #tpu.memory_space<hbm>> -> memref<96xi32, #tpu.memory_space<hbm>>
          tpu.enqueue_dma source(%dma_start3A_123 : memref<96xi32, #tpu.memory_space<hbm>>) target(%arg7 : memref<96xi32, #tpu.memory_space<vmem>>) target_semaphore(%run_scoped3A : memref<!tpu.dma_semaphore, #tpu.memory_space<semaphore_mem>>)
          %dma_wait3A = tpu.memref_slice %arg3[%add3A_118] : memref<325632xi32, #tpu.memory_space<hbm>> -> memref<96xi32, #tpu.memory_space<hbm>>
          %dma_wait3A_124 = tpu.memref_slice %arg3[%add3A_118] : memref<325632xi32, #tpu.memory_space<hbm>> -> memref<96xi32, #tpu.memory_space<hbm>>
          tpu.wait_dma2 semaphore(%run_scoped3A : memref<!tpu.dma_semaphore, #tpu.memory_space<semaphore_mem>>) src(%dma_wait3A_124 : memref<96xi32, #tpu.memory_space<hbm>>) dst(%arg7 : memref<96xi32, #tpu.memory_space<vmem>>)
          tpu.yield
        }) : () -> ()
        "tpu.region"() ({
          %run_scoped3A = tpu.sem_alloc : memref<!tpu.dma_semaphore, #tpu.memory_space<semaphore_mem>>
          %dma_start3A_122 = tpu.memref_slice %arg4[%add3A_118] : memref<325632xi32, #tpu.memory_space<hbm>> -> memref<96xi32, #tpu.memory_space<hbm>>
          %dma_start3A_123 = tpu.memref_slice %arg4[%add3A_118] : memref<325632xi32, #tpu.memory_space<hbm>> -> memref<96xi32, #tpu.memory_space<hbm>>
          tpu.enqueue_dma source(%dma_start3A_123 : memref<96xi32, #tpu.memory_space<hbm>>) target(%arg8 : memref<96xi32, #tpu.memory_space<vmem>>) target_semaphore(%run_scoped3A : memref<!tpu.dma_semaphore, #tpu.memory_space<semaphore_mem>>)
          %dma_wait3A = tpu.memref_slice %arg4[%add3A_118] : memref<325632xi32, #tpu.memory_space<hbm>> -> memref<96xi32, #tpu.memory_space<hbm>>
          %dma_wait3A_124 = tpu.memref_slice %arg4[%add3A_118] : memref<325632xi32, #tpu.memory_space<hbm>> -> memref<96xi32, #tpu.memory_space<hbm>>
          tpu.wait_dma2 semaphore(%run_scoped3A : memref<!tpu.dma_semaphore, #tpu.memory_space<semaphore_mem>>) src(%dma_wait3A_124 : memref<96xi32, #tpu.memory_space<hbm>>) dst(%arg8 : memref<96xi32, #tpu.memory_space<vmem>>)
          tpu.yield
        }) : () -> ()
        %dma_start3A_119 = arith.constant 0 : i32
        %dma_start3A_120 = arith.constant 0 : i32
        %dma_start3A_121 = tpu.memref_slice %arg2[%dma_start3A_119, %dma_start3A_120] : memref<10000x128xf32, #tpu.memory_space<hbm>> -> memref<10000x128xf32, #tpu.memory_space<hbm>>
        tpu.enqueue_indirect_dma source(%dma_start3A_121 : memref<10000x128xf32, #tpu.memory_space<hbm>>) target(%arg11 : memref<96x128xf32, #tpu.memory_space<vmem>>) offsets(%arg7 : memref<96xi32, #tpu.memory_space<vmem>>) semaphore(%arg15 : memref<!tpu.dma_semaphore, #tpu.memory_space<semaphore_mem>>)
      } else {
      }
      tpu.wait_dma2 semaphore(%arg16 : memref<!tpu.dma_semaphore, #tpu.memory_space<semaphore_mem>>) src(%arg2 : memref<10000x128xf32, #tpu.memory_space<hbm>>) dst(%arg12 : memref<96x128xf32, #tpu.memory_space<vmem>>)
      "tpu.region"() ({
        %run_scoped3A = tpu.sem_alloc : memref<!tpu.dma_semaphore, #tpu.memory_space<semaphore_mem>>
        %dma_start3A_112 = arith.constant 0 : i32
        %dma_start3A_113 = arith.constant 0 : i32
        %dma_start3A_114 = tpu.memref_slice %arg14[%dma_start3A_112, %dma_start3A_113] : memref<10240x128xf32, #tpu.memory_space<vmem_shared>> -> memref<10240x128xf32, #tpu.memory_space<vmem_shared>>
        tpu.enqueue_indirect_dma source(%arg12 : memref<96x128xf32, #tpu.memory_space<vmem>>) target(%dma_start3A_114 : memref<10240x128xf32, #tpu.memory_space<vmem_shared>>) offsets(%arg10 : memref<96xi32, #tpu.memory_space<vmem>>) semaphore(%run_scoped3A : memref<!tpu.dma_semaphore, #tpu.memory_space<semaphore_mem>>) {add = true}
        %dma_wait3A = arith.constant 0 : i32
        %dma_wait3A_115 = arith.constant 0 : i32
        %dma_wait3A_116 = tpu.memref_slice %arg14[%dma_wait3A, %dma_wait3A_115] : memref<10240x128xf32, #tpu.memory_space<vmem_shared>> -> memref<10240x128xf32, #tpu.memory_space<vmem_shared>>
        tpu.wait_indirect_dma semaphore(%run_scoped3A : memref<!tpu.dma_semaphore, #tpu.memory_space<semaphore_mem>>) src(%arg12 : memref<96x128xf32, #tpu.memory_space<vmem>>) dst(%dma_wait3A_116 : memref<10240x128xf32, #tpu.memory_space<vmem_shared>>)
        tpu.yield
      }) : () -> ()
      %get3A_93 = arith.constant 0 : index
      %get3A_94 = tpu.vector_load %arg10[%get3A_93] {strides = array<i32>} : memref<96xi32, #tpu.memory_space<vmem>>, vector<16xi32>,
      tpu.vector_store_idx %arg13[%get3A_94], %broadcast_in_dim3A_3 {add = true} : memref<10240xf32, #tpu.memory_space<vmem>>[vector<16xi32>], vector<16xf32>,
      %get3A_95 = arith.constant 16 : index
      %get3A_96 = tpu.vector_load %arg10[%get3A_95] {strides = array<i32>} : memref<96xi32, #tpu.memory_space<vmem>>, vector<16xi32>,
      tpu.vector_store_idx %arg13[%get3A_96], %broadcast_in_dim3A_3 {add = true} : memref<10240xf32, #tpu.memory_space<vmem>>[vector<16xi32>], vector<16xf32>,
      %get3A_97 = arith.constant 32 : index
      %get3A_98 = tpu.vector_load %arg10[%get3A_97] {strides = array<i32>} : memref<96xi32, #tpu.memory_space<vmem>>, vector<16xi32>,
      tpu.vector_store_idx %arg13[%get3A_98], %broadcast_in_dim3A_3 {add = true} : memref<10240xf32, #tpu.memory_space<vmem>>[vector<16xi32>], vector<16xf32>,
      %get3A_99 = arith.constant 48 : index
      %get3A_100 = tpu.vector_load %arg10[%get3A_99] {strides = array<i32>} : memref<96xi32, #tpu.memory_space<vmem>>, vector<16xi32>,
      tpu.vector_store_idx %arg13[%get3A_100], %broadcast_in_dim3A_3 {add = true} : memref<10240xf32, #tpu.memory_space<vmem>>[vector<16xi32>], vector<16xf32>,
      %get3A_101 = arith.constant 64 : index
      %get3A_102 = tpu.vector_load %arg10[%get3A_101] {strides = array<i32>} : memref<96xi32, #tpu.memory_space<vmem>>, vector<16xi32>,
      tpu.vector_store_idx %arg13[%get3A_102], %broadcast_in_dim3A_3 {add = true} : memref<10240xf32, #tpu.memory_space<vmem>>[vector<16xi32>], vector<16xf32>,
      %get3A_103 = arith.constant 80 : index
      %get3A_104 = tpu.vector_load %arg10[%get3A_103] {strides = array<i32>} : memref<96xi32, #tpu.memory_space<vmem>>, vector<16xi32>,
      tpu.vector_store_idx %arg13[%get3A_104], %broadcast_in_dim3A_3 {add = true} : memref<10240xf32, #tpu.memory_space<vmem>>[vector<16xi32>], vector<16xf32>,
      %add3A_105 = arith.constant 1 : i32
      %add3A_106 = arith.addi %scan3A_77, %add3A_105 : i32
      %lt3A_107 = arith.constant 53 : i32
      %lt3A_108 = arith.cmpi slt, %add3A_106, %lt3A_107 : i32
      %convert_element_type3A_109 = arith.extui %lt3A_108 : i1 to i32
      %cond3A_110 = arith.constant 0 : i32
      %cond3A_111 = arith.cmpi ne, %convert_element_type3A_109, %cond3A_110 : i32
      scf.if %cond3A_111 {
        %mul3A_112 = arith.constant 2 : i32
        %mul3A_113 = arith.muli %mul3A_112, %scan3A_77 : i32
        %add3A_114 = arith.constant 3 : i32
        %add3A_115 = arith.addi %mul3A_113, %add3A_114 : i32
        %mul3A_116 = arith.constant 96 : i32
        %mul3A_117 = arith.muli %add3A_115, %mul3A_116 : i32
        %add3A_118 = arith.addi %mul3A_56, %mul3A_117 : i32
        "tpu.region"() ({
          %run_scoped3A = tpu.sem_alloc : memref<!tpu.dma_semaphore, #tpu.memory_space<semaphore_mem>>
          %dma_start3A_122 = tpu.memref_slice %arg3[%add3A_118] : memref<325632xi32, #tpu.memory_space<hbm>> -> memref<96xi32, #tpu.memory_space<hbm>>
          %dma_start3A_123 = tpu.memref_slice %arg3[%add3A_118] : memref<325632xi32, #tpu.memory_space<hbm>> -> memref<96xi32, #tpu.memory_space<hbm>>
          tpu.enqueue_dma source(%dma_start3A_123 : memref<96xi32, #tpu.memory_space<hbm>>) target(%arg9 : memref<96xi32, #tpu.memory_space<vmem>>) target_semaphore(%run_scoped3A : memref<!tpu.dma_semaphore, #tpu.memory_space<semaphore_mem>>)
          %dma_wait3A = tpu.memref_slice %arg3[%add3A_118] : memref<325632xi32, #tpu.memory_space<hbm>> -> memref<96xi32, #tpu.memory_space<hbm>>
          %dma_wait3A_124 = tpu.memref_slice %arg3[%add3A_118] : memref<325632xi32, #tpu.memory_space<hbm>> -> memref<96xi32, #tpu.memory_space<hbm>>
          tpu.wait_dma2 semaphore(%run_scoped3A : memref<!tpu.dma_semaphore, #tpu.memory_space<semaphore_mem>>) src(%dma_wait3A_124 : memref<96xi32, #tpu.memory_space<hbm>>) dst(%arg9 : memref<96xi32, #tpu.memory_space<vmem>>)
          tpu.yield
        }) : () -> ()
        "tpu.region"() ({
          %run_scoped3A = tpu.sem_alloc : memref<!tpu.dma_semaphore, #tpu.memory_space<semaphore_mem>>
          %dma_start3A_122 = tpu.memref_slice %arg4[%add3A_118] : memref<325632xi32, #tpu.memory_space<hbm>> -> memref<96xi32, #tpu.memory_space<hbm>>
          %dma_start3A_123 = tpu.memref_slice %arg4[%add3A_118] : memref<325632xi32, #tpu.memory_space<hbm>> -> memref<96xi32, #tpu.memory_space<hbm>>
          tpu.enqueue_dma source(%dma_start3A_123 : memref<96xi32, #tpu.memory_space<hbm>>) target(%arg10 : memref<96xi32, #tpu.memory_space<vmem>>) target_semaphore(%run_scoped3A : memref<!tpu.dma_semaphore, #tpu.memory_space<semaphore_mem>>)
          %dma_wait3A = tpu.memref_slice %arg4[%add3A_118] : memref<325632xi32, #tpu.memory_space<hbm>> -> memref<96xi32, #tpu.memory_space<hbm>>
          %dma_wait3A_124 = tpu.memref_slice %arg4[%add3A_118] : memref<325632xi32, #tpu.memory_space<hbm>> -> memref<96xi32, #tpu.memory_space<hbm>>
          tpu.wait_dma2 semaphore(%run_scoped3A : memref<!tpu.dma_semaphore, #tpu.memory_space<semaphore_mem>>) src(%dma_wait3A_124 : memref<96xi32, #tpu.memory_space<hbm>>) dst(%arg10 : memref<96xi32, #tpu.memory_space<vmem>>)
          tpu.yield
        }) : () -> ()
        %dma_start3A_119 = arith.constant 0 : i32
        %dma_start3A_120 = arith.constant 0 : i32
        %dma_start3A_121 = tpu.memref_slice %arg2[%dma_start3A_119, %dma_start3A_120] : memref<10000x128xf32, #tpu.memory_space<hbm>> -> memref<10000x128xf32, #tpu.memory_space<hbm>>
        tpu.enqueue_indirect_dma source(%dma_start3A_121 : memref<10000x128xf32, #tpu.memory_space<hbm>>) target(%arg12 : memref<96x128xf32, #tpu.memory_space<vmem>>) offsets(%arg9 : memref<96xi32, #tpu.memory_space<vmem>>) semaphore(%arg16 : memref<!tpu.dma_semaphore, #tpu.memory_space<semaphore_mem>>)
      } else {
      }
    }
    %scan3A_71 = arith.constant 53 : i32
    %barrier3A_72 = arith.constant 0 : index
    tpu.barrier barrier_id(%barrier3A_72)
    "tpu.region"() ({
      %run_scoped3A = tpu.sem_alloc : memref<!tpu.dma_semaphore, #tpu.memory_space<semaphore_mem>>
      %dma_start3A_77 = arith.constant 0 : i32
      %dma_start3A_78 = tpu.memref_slice %arg6[%arg0, %arg1, %dma_start3A_77] : memref<2x16x10240xf32, #tpu.memory_space<hbm>> -> memref<1x1x10240xf32, #tpu.memory_space<hbm>>
      %dma_start3A_79 = tpu.memref_squeeze %dma_start3A_78 : memref<1x1x10240xf32, #tpu.memory_space<hbm>> -> memref<10240xf32, #tpu.memory_space<hbm>>
      %dma_start3A_80 = arith.constant 0 : i32
      %dma_start3A_81 = tpu.memref_slice %arg6[%arg0, %arg1, %dma_start3A_80] : memref<2x16x10240xf32, #tpu.memory_space<hbm>> -> memref<1x1x10240xf32, #tpu.memory_space<hbm>>
      %dma_start3A_82 = tpu.memref_squeeze %dma_start3A_81 : memref<1x1x10240xf32, #tpu.memory_space<hbm>> -> memref<10240xf32, #tpu.memory_space<hbm>>
      tpu.enqueue_dma source(%arg13 : memref<10240xf32, #tpu.memory_space<vmem>>) target(%dma_start3A_82 : memref<10240xf32, #tpu.memory_space<hbm>>) target_semaphore(%run_scoped3A : memref<!tpu.dma_semaphore, #tpu.memory_space<semaphore_mem>>)
      %dma_wait3A = arith.constant 0 : i32
      %dma_wait3A_83 = tpu.memref_slice %arg6[%arg0, %arg1, %dma_wait3A] : memref<2x16x10240xf32, #tpu.memory_space<hbm>> -> memref<1x1x10240xf32, #tpu.memory_space<hbm>>
      %dma_wait3A_84 = tpu.memref_squeeze %dma_wait3A_83 : memref<1x1x10240xf32, #tpu.memory_space<hbm>> -> memref<10240xf32, #tpu.memory_space<hbm>>
      %dma_wait3A_85 = arith.constant 0 : i32
      %dma_wait3A_86 = tpu.memref_slice %arg6[%arg0, %arg1, %dma_wait3A_85] : memref<2x16x10240xf32, #tpu.memory_space<hbm>> -> memref<1x1x10240xf32, #tpu.memory_space<hbm>>
      %dma_wait3A_87 = tpu.memref_squeeze %dma_wait3A_86 : memref<1x1x10240xf32, #tpu.memory_space<hbm>> -> memref<10240xf32, #tpu.memory_space<hbm>>
      tpu.wait_dma2 semaphore(%run_scoped3A : memref<!tpu.dma_semaphore, #tpu.memory_space<semaphore_mem>>) src(%arg13 : memref<10240xf32, #tpu.memory_space<vmem>>) dst(%dma_wait3A_87 : memref<10240xf32, #tpu.memory_space<hbm>>)
      tpu.yield
    }) : () -> ()
    %mul3A_73 = arith.constant 640 : i32
    %mul3A_74 = arith.muli %arg1, %mul3A_73 : i32
    %mul3A_75 = arith.constant 640 : i32
    %mul3A_76 = arith.muli %arg1, %mul3A_75 : i32
    "tpu.region"() ({
      %run_scoped3A = tpu.sem_alloc : memref<!tpu.dma_semaphore, #tpu.memory_space<semaphore_mem>>
      %dma_start3A_77 = arith.constant 0 : i32
      %dma_start3A_78 = tpu.memref_slice %arg5[%arg0, %mul3A_76, %dma_start3A_77] : memref<2x10240x128xf32, #tpu.memory_space<hbm>> -> memref<1x640x128xf32, #tpu.memory_space<hbm>>
      %dma_start3A_79 = tpu.memref_squeeze %dma_start3A_78 : memref<1x640x128xf32, #tpu.memory_space<hbm>> -> memref<640x128xf32, #tpu.memory_space<hbm>>
      %dma_start3A_80 = arith.constant 0 : i32
      %dma_start3A_81 = tpu.memref_slice %arg14[%mul3A_74, %dma_start3A_80] : memref<10240x128xf32, #tpu.memory_space<vmem_shared>> -> memref<640x128xf32, #tpu.memory_space<vmem_shared>>
      tpu.enqueue_dma source(%dma_start3A_81 : memref<640x128xf32, #tpu.memory_space<vmem_shared>>) target(%dma_start3A_79 : memref<640x128xf32, #tpu.memory_space<hbm>>) target_semaphore(%run_scoped3A : memref<!tpu.dma_semaphore, #tpu.memory_space<semaphore_mem>>)
      %dma_wait3A = arith.constant 0 : i32
      %dma_wait3A_82 = tpu.memref_slice %arg5[%arg0, %mul3A_76, %dma_wait3A] : memref<2x10240x128xf32, #tpu.memory_space<hbm>> -> memref<1x640x128xf32, #tpu.memory_space<hbm>>
      %dma_wait3A_83 = tpu.memref_squeeze %dma_wait3A_82 : memref<1x640x128xf32, #tpu.memory_space<hbm>> -> memref<640x128xf32, #tpu.memory_space<hbm>>
      %dma_wait3A_84 = arith.constant 0 : i32
      %dma_wait3A_85 = tpu.memref_slice %arg14[%mul3A_74, %dma_wait3A_84] : memref<10240x128xf32, #tpu.memory_space<vmem_shared>> -> memref<640x128xf32, #tpu.memory_space<vmem_shared>>
      tpu.wait_dma2 semaphore(%run_scoped3A : memref<!tpu.dma_semaphore, #tpu.memory_space<semaphore_mem>>) src(%dma_wait3A_85 : memref<640x128xf32, #tpu.memory_space<vmem_shared>>) dst(%dma_wait3A_83 : memref<640x128xf32, #tpu.memory_space<hbm>>)
      tpu.yield
    }) : () -> ()
    return
  }
}

module attributes {stable_mosaic.version = 14 : i64} {
  func.func @body(%arg0: i32, %arg1: memref<2x1024x128xf32, #tpu.memory_space<vmem>>, %arg2: memref<2x16x1024xf32, #tpu.memory_space<vmem>>, %arg3: memref<128x128xf32, #tpu.memory_space<vmem>>, %arg4: memref<1x128xf32, #tpu.memory_space<vmem>>, %arg5: memref<1024x128xf32, #tpu.memory_space<vmem>>) attributes {dimension_semantics = [#tpu.dimension_semantics<arbitrary>], iteration_bounds = array<i64: 10>, scalar_prefetch = 0 : i64, scratch_operands = 0 : i64, tpu.core_type = #tpu.core_type<tc>, window_params = [{transform_indices = @transform_0, window_bounds = array<i64: 2, 1024, 128>}, {transform_indices = @transform_1, window_bounds = array<i64: 2, 16, 1024>}, {pipeline_mode = #tpu.pipeline_mode<synchronous>, transform_indices = @transform_2, window_bounds = array<i64: 128, 128>}, {pipeline_mode = #tpu.pipeline_mode<synchronous>, transform_indices = @transform_3, window_bounds = array<i64: 1, 128>}, {transform_indices = @transform_4, window_bounds = array<i64: 1024, 128>}]} {
    %get3A = arith.constant 0 : index
    %get3A_0 = arith.constant 0 : index
    %get3A_1 = arith.constant 0 : index
    %get3A_2 = vector.load %arg1[%get3A, %get3A_0, %get3A_1] : memref<2x1024x128xf32, #tpu.memory_space<vmem>>, vector<1x1024x128xf32>
    %get3A_3 = vector.shape_cast %get3A_2 : vector<1x1024x128xf32> to vector<1024x128xf32>
    %get3A_4 = arith.constant 1 : index
    %get3A_5 = arith.constant 0 : index
    %get3A_6 = arith.constant 0 : index
    %get3A_7 = vector.load %arg1[%get3A_4, %get3A_5, %get3A_6] : memref<2x1024x128xf32, #tpu.memory_space<vmem>>, vector<1x1024x128xf32>
    %get3A_8 = vector.shape_cast %get3A_7 : vector<1x1024x128xf32> to vector<1024x128xf32>
    %add3A = arith.addf %get3A_3, %get3A_8 : vector<1024x128xf32>
    %get3A_9 = arith.constant 0 : index
    %get3A_10 = arith.constant 0 : index
    %get3A_11 = arith.constant 0 : index
    %get3A_12 = vector.load %arg2[%get3A_9, %get3A_10, %get3A_11] : memref<2x16x1024xf32, #tpu.memory_space<vmem>>, vector<2x16x1024xf32>
    %reduce_sum3A = arith.constant dense<0.000000e+00> : vector<1024xf32>
    %reduce_sum3A_13 = vector.multi_reduction <add>, %get3A_12, %reduce_sum3A [0, 1] : vector<2x16x1024xf32> to vector<1024xf32>
    %reshape3A = vector.shape_cast %reduce_sum3A_13 : vector<1024xf32> to vector<1024x1xf32>
    %add3A_14 = arith.constant 9.99999997E-7 : f32
    %add3A_15 = vector.broadcast %add3A_14 : f32 to vector<1024x1xf32>
    %add3A_16 = arith.addf %reshape3A, %add3A_15 : vector<1024x1xf32>
    %div3A = vector.broadcast %add3A_16 : vector<1024x1xf32> to vector<1024x128xf32>
    %div3A_17 = arith.divf %add3A, %div3A : vector<1024x128xf32>
    %get3A_18 = arith.constant 0 : index
    %get3A_19 = arith.constant 0 : index
    %get3A_20 = vector.load %arg3[%get3A_18, %get3A_19] : memref<128x128xf32, #tpu.memory_space<vmem>>, vector<128x128xf32>
    %dot_general3A = arith.constant dense<0.000000e+00> : vector<1024x128xf32>
    %dot_general3A_21 = tpu.matmul %div3A_17, %get3A_20, %dot_general3A {dimension_numbers = #tpu.dot_dimension_numbers<[1], [1], [0], [0], [0, 0, 1, 0], [], []>, transpose_lhs_hint = false} : vector<1024x128xf32>, vector<128x128xf32>, vector<1024x128xf32> -> vector<1024x128xf32>
    %get3A_22 = arith.constant 0 : index
    %get3A_23 = arith.constant 0 : index
    %get3A_24 = vector.load %arg4[%get3A_22, %get3A_23] : memref<1x128xf32, #tpu.memory_space<vmem>>, vector<1x128xf32>
    %add3A_25 = vector.broadcast %get3A_24 : vector<1x128xf32> to vector<1024x128xf32>
    %add3A_26 = arith.addf %dot_general3A_21, %add3A_25 : vector<1024x128xf32>
    %swap3A = arith.constant 0 : index
    %swap3A_27 = arith.constant 0 : index
    %swap3A_28 = vector.load %arg5[%swap3A, %swap3A_27] : memref<1024x128xf32, #tpu.memory_space<vmem>>, vector<1024x128xf32>
    tpu.vector_store %arg5[%swap3A, %swap3A_27], %add3A_26 {strides = array<i32>} : memref<1024x128xf32, #tpu.memory_space<vmem>>, vector<1024x128xf32>,
    return
  }
  func.func @transform_0(%arg0: i32) -> (i32, i32, i32) {
    %c0_i32 = arith.constant 0 : i32
    %c0_i32_0 = arith.constant 0 : i32
    %c0_i32_1 = arith.constant 0 : i32
    return %c0_i32, %arg0, %c0_i32_0 : i32, i32, i32
  }
  func.func @transform_1(%arg0: i32) -> (i32, i32, i32) {
    %c0_i32 = arith.constant 0 : i32
    %c0_i32_0 = arith.constant 0 : i32
    %c0_i32_1 = arith.constant 0 : i32
    return %c0_i32, %c0_i32_0, %arg0 : i32, i32, i32
  }
  func.func @transform_2(%arg0: i32) -> (i32, i32) {
    %c0_i32 = arith.constant 0 : i32
    %c0_i32_0 = arith.constant 0 : i32
    %c0_i32_1 = arith.constant 0 : i32
    return %c0_i32, %c0_i32_0 : i32, i32
  }
  func.func @transform_3(%arg0: i32) -> (i32, i32) {
    %c0_i32 = arith.constant 0 : i32
    %c0_i32_0 = arith.constant 0 : i32
    %c0_i32_1 = arith.constant 0 : i32
    return %c0_i32, %c0_i32_0 : i32, i32
  }
  func.func @transform_4(%arg0: i32) -> (i32, i32) {
    %c0_i32 = arith.constant 0 : i32
    %c0_i32_0 = arith.constant 0 : i32
    return %arg0, %c0_i32 : i32, i32
  }
}

</mosaic_0001>

<sc_bundles>
// kernel: kernel.4.cloned.1.call-start
scs
__scs_entry_jumppad:
0x0: {  	(pc) =	sbr.rel $0x88, $3  }
0x1: {  	(tag) =	ssettag $0x0;
	lr =	simm.s32 $0x1  }
0x2: {  	[smem:$0x3F9D] =	sst lr;
	_ =	strace $0xD0000000  }
0x3: {  	_ = 	snop  }
0x4: {  	_ = 	snop  }
0x5: {  	_ = 	snop  }
0x6: {  	_ = 	snop  }
0x7: {  	_ = 	snop  }
__scs_overlays_trampoline_lowered:
0x8: {  	[smem:$0x3FAC] =	sst s0  }
0x9: {  	[smem:$0x3FAD] =	sst s1  }
0xa: {  	[smem:$0x3FAE] =	sst s2  }
0xb: {  	[smem:$0x3FAF] =	sst s3  }
0xc: {  	[smem:$0x3FB0] =	sst s4  }
0xd: {  	[smem:$0x3FB1] =	sst s5  }
0xe: {  	[smem:$0x3FB2] =	sst s6  }
0xf: {  	[smem:$0x3FB3] =	sst s7  }
0x10: {  	[smem:$0x3FB4] =	sst s8  }
0x11: {  	[smem:$0x3FB5] =	sst s9;
	s0 =	simm.s32 @!p0 $0x0  }
0x12: {  	s1 =	sld [smem:$0x3F9B];
	s0 =	simm.s32 @p0 $0x1  }
0x13: {  	[smem:$0x3FB6] =	sst s0;
	s0 =	simm.s32 @!p1 $0x0  }
0x14: {  	s2 =	sld [smem:$0x3F9A];
	s0 =	simm.s32 @p1 $0x1  }
0x15: {  	[smem:$0x3FB7] =	sst s0;
	s0 =	simm.s32 @!p2 $0x0  }
0x16: {  	s3 =	sld [smem:$0x3FDB];
	s0 =	simm.s32 @p2 $0x1  }
0x17: {  	s4 =	simm.s32 $0x1BF5;
	[smem:$0x3FB9] =	sst s0  }
0x18: {  	s0 =	sld [smem:$0x3F9C];
	_ =	swait.ge [sflag:s4], $0x0  }
0x19: {  	s7 =	sld [smem:$0x3F9D]  }
0x1a: {  	s8 =	sadd.s32 $0xFFFFE003, lr  }
0x1b: {  	s9 =	sadd.s32 $0xFFFFFEF7, lr;
	s5 =	simm.s32 $0xFFFFFFFF;
	p2 =	slt.u32 s8, $0xFFFFF086  }
0x1c: {  	p1 =	slt.u32 s9, $0xF7A;
	s5 =	simm.s32 @!p2 $0x0  }
0x1d: {  	s5 =	simm.s32 @p1 $0x1;
	p0 =	seq.s32 s7, s2  }
0x1e: {  	s7 =	smul.u32 @!p0 $0xF7A, s2;
	p2 =	seq.s32 @!p0 s5, $0x0  }
0x1f: {  	s9 =	smul.u32 $0xF7A, s1;
	s8 =	simm.s32 @!p0 $0x1BF5;
	p2 =	por !p2, p0  }
0x20: {  	[sflag:s8] =	ssyncset.s32 @!p0 $0xFFFFF086;
	s6 =	sadd.s32 @!p0 s3, s7;
	s7 =	simm.s32 @!p0 $0x108  }
0x21: {  	s3 =	sadd.s32 s3, s9;
	s6 =	sadd.s32 @!p0 $0x88, s6;
	s7 =	simm.s32 @p2 $0x1082  }
0x22: {  	[simem:s7], [sflag:s8] =	dma.local @!p0 [hbm:s6], $0xF7A  }
0x23: {  	s9 =	sor.u32 $0xD0000000, s2;
	s6 =	simm.s32 $0x108;
	_ =	swait.ge @!p0 [sflag:s8], $0x0  }
0x24: {  	s3 =	sadd.s32 $0x88, s3;
	s6 =	simm.s32 @!p1 $0x1082;
	[sflag:s4] =	ssyncset.s32 $0xFFFFF086  }
0x25: {  	[simem:s6], [sflag:s4] =	dma.local [hbm:s3], $0xF7A  }
0x26: {  	[smem:$0x3F9D] =	sst s1;
	(tag) =	ssettag s2;
	_ =	strace s9  }
0x27: {  	s1 =	sld [smem:$0x3FAD]  }
0x28: {  	s2 =	sld [smem:$0x3FAE]  }
0x29: {  	s4 =	sld [smem:$0x3FB0]  }
0x2a: {  	p0 =	seq.s32 s5, $0x0;
	s5 =	sld [smem:$0x3FB1]  }
0x2b: {  	s6 =	sld [smem:$0x3FB2]  }
0x2c: {  	s7 =	sld [smem:$0x3FB3]  }
0x2d: {  	s3 =	simm.s32 $0x108;
	s8 =	sld [smem:$0x3FB4]  }
0x2e: {  	s3 =	simm.s32 @!p0 $0x1082;
	s9 =	sld [smem:$0x3FB5]  }
0x2f: {  	lr =	sadd.s32 s0, s3;
	s0 =	sld [smem:$0x3FAC]  }
0x30: {  	s3 =	sld [smem:$0x3FAF]  }
0x31: {  	[smem:$0x3FB8] =	sst s10  }
0x32: {  	s10 =	sld [smem:$0x3FB6];
	_ =	sdelay $0x3  }
0x33: {  	p0 =	seq.s32 s10, $0x1;
	s10 =	sld [smem:$0x3FB8];
	_ =	sdelay $0x3  }
0x34: {  	[smem:$0x3FB8] =	sst s10  }
0x35: {  	s10 =	sld [smem:$0x3FB7];
	_ =	sdelay $0x3  }
0x36: {  	p1 =	seq.s32 s10, $0x1;
	s10 =	sld [smem:$0x3FB8];
	_ =	sdelay $0x3  }
0x37: {  	[smem:$0x3FB8] =	sst s10  }
0x38: {  	s10 =	sld [smem:$0x3FB9]  }
0x39: {  	_ = 	snop;
	(pc) =	sbr.ind lr, $3  }
0x3a: {  	_ = 	snop  }
0x3b: {  	_ = 	snop  }
0x3c: {  	p2 =	seq.s32 s10, $0x1;
	s10 =	sld [smem:$0x3FB8]  }
0x3d: {  	_ =	shalt  }
0x3e: {  	_ =	shalt  }
0x3f: {  	_ =	shalt  }
0x40: {  	_ =	shalt  }
0x41: {  	_ =	shalt  }
0x42: {  	_ =	shalt  }
0x43: {  	_ =	shalt  }
0x44: {  	_ =	shalt  }
0x45: {  	_ =	shalt  }
0x46: {  	_ =	shalt  }
0x47: {  	_ =	shalt  }
0x48: {  	_ =	shalt  }
0x49: {  	_ =	shalt  }
0x4a: {  	_ =	shalt  }
0x4b: {  	_ =	shalt  }
0x4c: {  	_ =	shalt  }
0x4d: {  	_ =	shalt  }
0x4e: {  	_ =	shalt  }
0x4f: {  	_ =	shalt  }
0x50: {  	_ =	shalt  }
0x51: {  	_ =	shalt  }
0x52: {  	_ =	shalt  }
0x53: {  	_ =	shalt  }
0x54: {  	_ =	shalt  }
0x55: {  	_ =	shalt  }
0x56: {  	_ =	shalt  }
0x57: {  	_ =	shalt  }
0x58: {  	_ =	shalt  }
0x59: {  	_ =	shalt  }
0x5a: {  	_ =	shalt  }
0x5b: {  	_ =	shalt  }
0x5c: {  	_ =	shalt  }
0x5d: {  	_ =	shalt  }
0x5e: {  	_ =	shalt  }
0x5f: {  	_ =	shalt  }
0x60: {  	_ =	shalt  }
0x61: {  	_ =	shalt  }
0x62: {  	_ =	shalt  }
0x63: {  	_ =	shalt  }
0x64: {  	_ =	shalt  }
0x65: {  	_ =	shalt  }
0x66: {  	_ =	shalt  }
0x67: {  	_ =	shalt  }
0x68: {  	_ =	shalt  }
0x69: {  	_ =	shalt  }
0x6a: {  	_ =	shalt  }
0x6b: {  	_ =	shalt  }
0x6c: {  	_ =	shalt  }
0x6d: {  	_ =	shalt  }
0x6e: {  	_ =	shalt  }
0x6f: {  	_ =	shalt  }
0x70: {  	_ =	shalt  }
0x71: {  	_ =	shalt  }
0x72: {  	_ =	shalt  }
0x73: {  	_ =	shalt  }
0x74: {  	_ =	shalt  }
0x75: {  	_ =	shalt  }
0x76: {  	_ =	shalt  }
0x77: {  	_ =	shalt  }
0x78: {  	_ =	shalt  }
0x79: {  	_ =	shalt  }
0x7a: {  	_ =	shalt  }
0x7b: {  	_ =	shalt  }
0x7c: {  	_ =	shalt  }
0x7d: {  	_ =	shalt  }
0x7e: {  	_ =	shalt  }
0x7f: {  	_ =	shalt  }
0x80: {  	_ =	shalt  }
0x81: {  	_ =	shalt  }
0x82: {  	_ =	shalt  }
0x83: {  	_ =	shalt  }
0x84: {  	_ =	shalt  }
0x85: {  	_ =	shalt  }
0x86: {  	_ =	shalt  }
0x87: {  	_ =	shalt  }
.Lfunc_end0:
.L_simem_size_0:
called_computation_lowered:
.L_overlay_start_0:
0x88: {  	s2 =	sld [smem:$0x3FD9]  }
0x89: {  	s3 =	sld [smem:$0x3FFE];
	_ =	sdelay $0x1  }
0x8a: {  	s1 =	srdreg.scid  }
0x8b: {  	s0 =	sand.u32 $0x1, s1  }
0x8c: {  	s17 =	sshll.u32 s0, $0xA;
	s2 =	sadd.s32 s3, s2  }
0x8d: {  	s2 =	sadd.s32 s2, s17  }
0x8e: {  	[smem:$0x3FC4] =	sst s2  }
0x8f: {  	_ = 	snop  }
0x90: {  	s2 =	sld [smem:$0x3FC9]  }
0x91: {  	s18 =	sld [smem:$0x3FD0];
	(tm) =	ssettm $0x1  }
0x92: {  	s4 =	sld [smem:$0x3FFB];
	_ =	sdelay $0x3  }
0x93: {  	_ =	strace s4  }
0x94: {  	s4 =	sld [smem:$0x3FFC];
	_ =	sdelay $0x3  }
0x95: {  	_ =	strace s4  }
0x96: {  	s4 =	sld [smem:$0x3FFD];
	_ =	sdelay $0x3  }
0x97: {  	_ =	strace s4  }
0x98: {  	_ =	strace $0x8FFFFFFF  }
0x99: {  	s19 =	sld [smem:$0x3FDB];
	_ =	sdelay $0x1  }
0x9a: {  	s5 =	simm.s32 $_scs_section_size  }
0x9b: {  	s6 =	simm.s32 $_size__tile_overlayer_lowered;
	s7 =	simm.s32 $_tile_overlayer_lowered  }
0x9c: {  	s22 =	simm.s32 $0x1BFF;
	s21 =	sshll.u32 s7, $0x1;
	s4 =	sadd.s32 s5, s19  }
0x9d: {  	s8 =	simm.s32 $0x0;
	s20 =	sshll.u32 s6, $0x1;
	s6 =	sadd.s32 s21, s4  }
0x9e: {  	[timem:s8], [sflag:s22] =	dma.local [hbm:s6], s20  }
0x9f: {  	_ =	swait.ge [sflag:s22], s20  }
0xa0: {  	s5 =	ssub.s32 $0x0, s20;
	[sflag:s22] =	ssyncset.done $0x0  }
0xa1: {  	[sflag:s22] =	ssyncadd.s32 s5;
	_ =	sdelay $0x1  }
0xa2: {  	s23 =	simm.s32 $0x1B8B  }
0xa3: {  	_ =	swait.ge [sflag:s23], $0x1  }
0xa4: {  	[sflag:s23] =	ssyncset.done $0x0  }
0xa5: {  	s25 =	simm.s32 $0x1B8E;
	s24 =	sld [smem:$0x3FFE];
	[sflag:s23] =	ssyncadd.s32 $0xFFFFFFFF  }
0xa6: {  	s26 =	simm.s32 $execute0_lowered;
	[smem:$0x3FD2] =	sst s25  }
0xa7: {  	s6 =	sshll.u32 s26, $0x1;
	_ =	strace $0x80000046;
	[dreg:$0x1] =	wrdreg $0xFFFFFFFF  }
0xa8: {  	s28 =	simm.s32 $_size_execute0_lowered;
	s4 =	sadd.s32 s4, s6;
	[dreg:$0x0] =	wrdreg $0x0  }
0xa9: {  	s6 =	sshll.u32 s28, $0x1;
	[dreg:$0x2] =	wrdreg s4  }
0xaa: {  	[dreg:$0x3] =	wrdreg s6  }
0xab: {  	[dreg:$0x4] =	wrdreg $0xC0  }
0xac: {  	_ =	task [dreg:s8], $0x5FFFF  }
0xad: {  	[dreg:$0x1] =	wrdreg $0xFFFFFFFF  }
0xae: {  	[dreg:$0x0] =	wrdreg $0x60  }
0xaf: {  	[dreg:$0x2] =	wrdreg s2  }
0xb0: {  	[dreg:$0x3] =	wrdreg s24  }
0xb1: {  	[dreg:$0x4] =	wrdreg s18  }
0xb2: {  	[dreg:$0x5] =	wrdreg $0x8A000  }
0xb3: {  	[dreg:$0x6] =	wrdreg $0x9  }
0xb4: {  	_ =	task.clear_ibuf [dreg:s8], $0x7FFFF;
	_ =	strace $0x90000046  }
0xb5: {  	s29 =	simm.s32 $0x9;
	_ =	strace $0x80000048  }
0xb6: {  	_ =	swait.ge [sflag:s29], $0x1  }
0xb7: {  	[sflag:s29] =	ssyncadd.s32 $0xFFFFFFFF  }
0xb8: {  	_ =	strace $0x90000048  }
0xb9: {  	_ =	sfence  }
0xba: {  	s30 =	sld [smem:$0x0];
	_ =	sdelay $0x2  }
0xbb: {  	s31 =	sshll.u32 s1, $0xD;
	s1 =	sshrl.u32 s1, $0x2  }
0xbc: {  	s3 =	sand.u32 $0x4000, s31;
	s1 =	sadd.s32 s1, s30  }
0xbd: {  	s0 =	sor.u32 s3, s0;
	s1 =	sshll.u32 s1, $0x11  }
0xbe: {  	s0 =	sor.u32 s1, s0  }
0xbf: {  	s0 =	sadd.s32 $0x8F2B, s0  }
0xc0: {  	[sflag:s0] =	ssyncadd.remote.s32 $0x1  }
0xc1: {  	_ =	sfence.sel $0xFFFF  }
0xc2: {  	[dreg:$0x0] =	wrdreg $0xFFFFFFFF;
	(pc) =	sbr.abs _section_cstart, $3  }
0xc3: {  	[dreg:$0x1] =	wrdreg $0xFFFFFFFF  }
0xc4: {  	_ =	task.clear_ibuf [dreg:s8], $0x2FFFF;
	_ =	strace $0x9FFFFFFF  }
0xc5: {  	(tm) =	ssettm $0x7FFFFFFF  }
tec
execute0_lowered:
.L_overlay_start_1:
0x0: {  	(tag) =	ssettag $0x1  }
0x1: {  	s0 =	rddreg [dreg:$0x0]  }
0x2: {  	s1 =	rddreg [dreg:$0x1]  }
0x3: {  	s2 =	rddreg [dreg:$0x2];
	s4 =	srdreg.scid  }
0x4: {  	s3 =	rddreg [dreg:$0x3];
	s14 =	stileid.u32;
	s28 =	simm.s32 $0x200  }
0x5: {  	s29 =	simm.s32 $0x3;
	s30 =	simm.s32 $0x80;
	s6 =	smul.u32 $0x14000, s14  }
0x6: {  	s31 =	simm.s32 $0x60;
	s8 =	sand.u32 $0x1, s4;
	s9 =	smul.u32 $0x50000, s14  }
0x7: {  	s4 =	simm.s32 $0x0;
	s11 =	sshll.u32 s14, $0x1;
	s5 =	smul.u32 $0x140000, s8  }
0x8: {  	s21 =	sshll.u32 s14, $0x7;
	s19 =	smul.u32 $0x4F80, s14;
	[smem:$0x7FF] =	sst s4  }
0x9: {  	s10 =	ssub.s32 $0x2, s8;
	s18 =	smul.u32 $0x28000, s8;
	s7 =	sadd.s32 s6, s5  }
0xa: {  	s22 =	sshrl.u32 s9, $0x2;
	s5 =	sadd.s32 $0xA800, s1;
	s7 =	sshrl.u32 s7, $0x3  }
0xb: {  	s6 =	sadd.s32 $0x800, s1;
	s1 =	sadd.s32 s7, s1;
	s7 =	sadd.s32 s22, s3  }
0xc: {  	s24 =	sor.u32 s8, s11;
	s8 =	smul.u32 $0x27C0, s8;
	s25 =	sadd.s32 $0x2000, s7  }
0xd: {  	_ =	strace $0x80000047;
	s26 =	sadd.s32 $0x4000, s7;
	[dreg:$0x5] =	wrdreg s25  }
0xe: {  	s23 =	sshrl.u32 s10, $0x1;
	s12 =	sadd.s32 $0x6000, s7;
	[dreg:$0x6] =	wrdreg s26  }
0xf: {  	s9 =	ssub.s32 s10, s23;
	s13 =	sadd.s32 $0x8000, s7;
	[dreg:$0x7] =	wrdreg s12  }
0x10: {  	s10 =	smul.u32 $0x27C0, s24;
	s15 =	sadd.s32 $0xA000, s7;
	[dreg:$0x8] =	wrdreg s13  }
0x11: {  	s8 =	sadd.s32 s8, s19;
	s16 =	sadd.s32 $0xC000, s7;
	[dreg:$0x9] =	wrdreg s15  }
0x12: {  	s10 =	sshrl.u32 s10, $0x3;
	s17 =	sadd.s32 $0xE000, s7;
	[dreg:$0xa] =	wrdreg s16  }
0x13: {  	s22 =	sand.u32 $0x380, s21;
	s20 =	sadd.s32 s5, s10;
	[dreg:$0xb] =	wrdreg s17  }
0x14: {  	s23 =	sadd.s32 s6, s10;
	s10 =	sadd.s32 $0xC, s10;
	[dreg:$0xd] =	wrdreg s20  }
0x15: {  	s21 =	sadd.s32 $0x14800, s1;
	s13 =	sadd.s32 $0x10000, s7;
	[dreg:$0xe] =	wrdreg s23  }
0x16: {  	s1 =	simm.s32 $0x100;
	s24 =	sadd.s32 s5, s10;
	[dreg:$0xc] =	wrdreg s13  }
0x17: {  	s12 =	sshrl.u32 s14, $0x3;
	s10 =	sadd.s32 s6, s10;
	[dreg:$0xf] =	wrdreg s24  }
0x18: {  	s25 =	sadd.s32 $0x120, s8;
	s12 =	smul.u32 $0x14000, s12;
	[dreg:$0x10] =	wrdreg s10  }
0x19: {  	s26 =	sshrl.u32 s25, $0x3;
	s13 =	sadd.s32 $0xC0, s8;
	s8 =	simm.s32 $0x3200  }
0x1a: {  	s10 =	simm.s32 $0x6200;
	s23 =	sadd.s32 s26, s6;
	s11 =	sadd.s32 s18, s12  }
0x1b: {  	s24 =	sadd.s32 s26, s5;
	s26 =	sadd.s32 $0x12000, s7;
	s11 =	sor.u32 s22, s11  }
0x1c: {  	s22 =	smax.u32 s9, $0x1;
	s9 =	simm.s32 $0x1;
	s11 =	sshrl.u32 s11, $0x3  }
0x1d: {  	v0 =	vimm.f32 $0.0e+00;
	v1 =	vimm.f32 $1.000000000e+00;
	s20 =	sadd.s32 s2, s11;
	s2 =	simm.s32 $0x180;
	s11 =	simm.s32 $0x2  }
.LBB2_1:
0x1e: {  	s12 =	simm.s32 $0x0  }
.LBB2_2:
0x1f: {  	p0 =	sne.s32 s12, $0x9FC0  }
.Ltmp0:
0x20: {  	_ = 	snop;
	(pc) =	sbr.rel @p0 .LBB2_2-.Ltmp0, $3  }
0x21: {  	_ =	sdelay $0x1  }
0x22: {  	s25 =	sshra.s32 s12, $0x2  }
0x23: {  	s12 =	sadd.s32 $0x40, s12;
	[tilespmem:s25+$0x6200] =	vst v0  }
0x24: {  	s12 =	simm.s32 $0x0;
	s25 =	simm.s32 $0x200  }
.LBB2_4:
0x25: {  	p0 =	sne.s32 s25, $0xBE00;
	[tilespmem:s12+$0x270] =	vst v0  }
0x26: {  	[tilespmem:s12+$0x200] =	vst v0  }
0x27: {  	[tilespmem:s12+$0x210] =	vst v0  }
.Ltmp1:
0x28: {  	[tilespmem:s12+$0x220] =	vst v0;
	(pc) =	sbr.rel @p0 .LBB2_4-.Ltmp1, $4  }
0x29: {  	[tilespmem:s12+$0x230] =	vst v0  }
0x2a: {  	[tilespmem:s12+$0x240] =	vst v0  }
0x2b: {  	[tilespmem:s12+$0x250] =	vst v0  }
0x2c: {  	[tilespmem:s12+$0x260] =	vst v0;
	s12 =	sshra.s32 s25, $0x2;
	s25 =	sadd.s32 $0x200, s25  }
0x2d: {  	[tilespmem:s12+$0x270] =	vst v0  }
0x2e: {  	[tilespmem:s12+$0x200] =	vst v0  }
0x2f: {  	[tilespmem:s12+$0x210] =	vst v0  }
0x30: {  	[tilespmem:s12+$0x220] =	vst v0  }
0x31: {  	[tilespmem:s12+$0x230] =	vst v0  }
0x32: {  	[tilespmem:s12+$0x240] =	vst v0  }
0x33: {  	[tilespmem:s12+$0x250] =	vst v0  }
0x34: {  	[tilespmem:s12+$0x260] =	vst v0  }
0x35: {  	[spmem:s7] =	stream.linear.scatter [tilespmem:s28], [sflag:$0x3], $0x2000, $0x38;
	[tilespmem:$0x1CA00] =	vst v63  }
0x36: {  	_ =	swait.ge [sflag:s29], $0x2000  }
0x37: {  	[sflag:s29] =	ssyncset.done $0x0  }
0x38: {  	s17 =	rddreg [dreg:$0x5];
	[sflag:s29] =	ssyncadd.s32 $0xFFFFE000  }
0x39: {  	[spmem:s17] =	stream.linear.scatter [tilespmem:s28], [sflag:$0x3], $0x2000, $0x38;
	[tilespmem:$0x1CA00] =	vst v63  }
0x3a: {  	_ =	swait.ge [sflag:s29], $0x2000  }
0x3b: {  	[sflag:s29] =	ssyncset.done $0x0  }
0x3c: {  	s18 =	rddreg [dreg:$0x6];
	[sflag:s29] =	ssyncadd.s32 $0xFFFFE000  }
0x3d: {  	[spmem:s18] =	stream.linear.scatter [tilespmem:s28], [sflag:$0x3], $0x2000, $0x38;
	[tilespmem:$0x1CA00] =	vst v63  }
0x3e: {  	_ =	swait.ge [sflag:s29], $0x2000  }
0x3f: {  	[sflag:s29] =	ssyncset.done $0x0  }
0x40: {  	s19 =	rddreg [dreg:$0x7];
	[sflag:s29] =	ssyncadd.s32 $0xFFFFE000  }
0x41: {  	[spmem:s19] =	stream.linear.scatter [tilespmem:s28], [sflag:$0x3], $0x2000, $0x38;
	[tilespmem:$0x1CA00] =	vst v63  }
0x42: {  	_ =	swait.ge [sflag:s29], $0x2000  }
0x43: {  	[sflag:s29] =	ssyncset.done $0x0  }
0x44: {  	s25 =	rddreg [dreg:$0x8];
	[sflag:s29] =	ssyncadd.s32 $0xFFFFE000  }
0x45: {  	[spmem:s25] =	stream.linear.scatter [tilespmem:s28], [sflag:$0x3], $0x2000, $0x38;
	[tilespmem:$0x1CA00] =	vst v63  }
0x46: {  	_ =	swait.ge [sflag:s29], $0x2000  }
0x47: {  	[sflag:s29] =	ssyncset.done $0x0  }
0x48: {  	s14 =	rddreg [dreg:$0x9];
	[sflag:s29] =	ssyncadd.s32 $0xFFFFE000  }
0x49: {  	[spmem:s14] =	stream.linear.scatter [tilespmem:s28], [sflag:$0x3], $0x2000, $0x38;
	[tilespmem:$0x1CA00] =	vst v63  }
0x4a: {  	_ =	swait.ge [sflag:s29], $0x2000  }
0x4b: {  	[sflag:s29] =	ssyncset.done $0x0  }
0x4c: {  	s15 =	rddreg [dreg:$0xa];
	[sflag:s29] =	ssyncadd.s32 $0xFFFFE000  }
0x4d: {  	[spmem:s15] =	stream.linear.scatter [tilespmem:s28], [sflag:$0x3], $0x2000, $0x38;
	[tilespmem:$0x1CA00] =	vst v63  }
0x4e: {  	_ =	swait.ge [sflag:s29], $0x2000  }
0x4f: {  	[sflag:s29] =	ssyncset.done $0x0  }
0x50: {  	s16 =	rddreg [dreg:$0xb];
	[sflag:s29] =	ssyncadd.s32 $0xFFFFE000  }
0x51: {  	[spmem:s16] =	stream.linear.scatter [tilespmem:s28], [sflag:$0x3], $0x2000, $0x38;
	[tilespmem:$0x1CA00] =	vst v63  }
0x52: {  	_ =	swait.ge [sflag:s29], $0x2000  }
0x53: {  	[sflag:s29] =	ssyncset.done $0x0  }
0x54: {  	s17 =	rddreg [dreg:$0xc];
	[sflag:s29] =	ssyncadd.s32 $0xFFFFE000  }
0x55: {  	[spmem:s17] =	stream.linear.scatter [tilespmem:s28], [sflag:$0x3], $0x2000, $0x38;
	[tilespmem:$0x1CA00] =	vst v63  }
0x56: {  	_ =	swait.ge [sflag:s29], $0x2000  }
0x57: {  	[sflag:s29] =	ssyncset.done $0x0  }
0x58: {  	[sflag:s29] =	ssyncadd.s32 $0xFFFFE000  }
0x59: {  	[spmem:s26] =	stream.linear.scatter [tilespmem:s28], [sflag:$0x3], $0x2000, $0x38;
	[tilespmem:$0x1CA00] =	vst v63  }
0x5a: {  	_ =	swait.ge [sflag:s29], $0x2000  }
0x5b: {  	[sflag:s29] =	ssyncset.done $0x0  }
0x5c: {  	[sflag:s29] =	ssyncadd.s32 $0xFFFFE000  }
0x5d: {  	[bflag:$0x0] =	sbarrier.arrive $0xFFFF  }
0x5e: {  	s12 =	simm.s32 $0x0;
	s14 =	rddreg [dreg:$0xd]  }
0x5f: {  	[tilespmem:s12], [sflag:$0x3] =	stream.linear.gather [hbm4b:s14+s12], $0x60, $0x38;
	[tilespmem:$0x1CA00] =	vst v63  }
0x60: {  	_ =	swait.ge [sflag:s29], $0x60  }
0x61: {  	[sflag:s29] =	ssyncset.done $0x0  }
0x62: {  	s18 =	rddreg [dreg:$0xe];
	[sflag:s29] =	ssyncadd.s32 $0xFFFFFFA0  }
0x63: {  	[tilespmem:s30], [sflag:$0x3] =	stream.linear.gather [hbm4b:s18+s12], $0x60, $0x38;
	[tilespmem:$0x1CA00] =	vst v63  }
0x64: {  	_ =	swait.ge [sflag:s29], $0x60  }
0x65: {  	[sflag:s29] =	ssyncset.done $0x0  }
0x66: {  	[sflag:s29] =	ssyncadd.s32 $0xFFFFFFA0  }
0x67: {  	[tilespmem:s28], [sflag:$0x1] =	stream.indirect.gather [hbm4b:s0+s31], $0x80, s12, s31, $0xb8;
	[tilespmem:$0x1CA00] =	vst v63  }
0x68: {  	s19 =	rddreg [dreg:$0xf]  }
0x69: {  	[tilespmem:s1], [sflag:$0x3] =	stream.linear.gather [hbm4b:s19+s12], $0x60, $0x38;
	[tilespmem:$0x1CA00] =	vst v63  }
0x6a: {  	_ =	swait.ge [sflag:s29], $0x60  }
0x6b: {  	[sflag:s29] =	ssyncset.done $0x0  }
0x6c: {  	s25 =	rddreg [dreg:$0x10];
	[sflag:s29] =	ssyncadd.s32 $0xFFFFFFA0  }
0x6d: {  	[tilespmem:s2], [sflag:$0x3] =	stream.linear.gather [hbm4b:s25+s12], $0x60, $0x38;
	[tilespmem:$0x1CA00] =	vst v63  }
0x6e: {  	_ =	swait.ge [sflag:s29], $0x60  }
0x6f: {  	[sflag:s29] =	ssyncset.done $0x0  }
0x70: {  	s25 =	smov.u32 s13;
	[sflag:s29] =	ssyncadd.s32 $0xFFFFFFA0  }
0x71: {  	[tilespmem:s8], [sflag:$0x2] =	stream.indirect.gather [hbm4b:s0+s31], $0x80, s1, s31, $0xb8;
	[tilespmem:$0x1CA00] =	vst v63  }
.LBB2_6:
0x72: {  	_ =	swait.ge [sflag:s9], $0x3000  }
0x73: {  	[sflag:s9] =	ssyncset.done $0x0  }
0x74: {  	[sflag:s9] =	ssyncadd.s32 $0xFFFFD000  }
0x75: {  	[spmem:s3] =	stream.indirect.scatter.add.f32 [tilespmem:s28], [sflag:$0x3], $0x80, s30, s31, $0xb8;
	[tilespmem:$0x1CA00] =	vst v63  }
0x76: {  	_ =	swait.ge [sflag:s29], $0x3000  }
0x77: {  	[sflag:s29] =	ssyncset.done $0x0  }
0x78: {  	[sflag:s29] =	ssyncadd.s32 $0xFFFFD000  }
0x79: {  	v2 =	vld [tilespmem:$0x80];
	_ =	sdelay $0x7  }
0x7a: {  	[tilespmem:v2+s10+$0x0] =	vst.idx.add.f32.msk $0xffff, v1  }
0x7b: {  	v2 =	vld [tilespmem:$0x90];
	_ =	sdelay $0x7  }
0x7c: {  	[tilespmem:v2+s10+$0x0] =	vst.idx.add.f32.msk $0xffff, v1  }
0x7d: {  	v2 =	vld [tilespmem:$0xA0];
	_ =	sdelay $0x7  }
0x7e: {  	[tilespmem:v2+s10+$0x0] =	vst.idx.add.f32.msk $0xffff, v1  }
0x7f: {  	v2 =	vld [tilespmem:$0xB0];
	_ =	sdelay $0x7  }
0x80: {  	[tilespmem:v2+s10+$0x0] =	vst.idx.add.f32.msk $0xffff, v1  }
0x81: {  	v2 =	vld [tilespmem:$0xC0];
	_ =	sdelay $0x7  }
0x82: {  	[tilespmem:v2+s10+$0x0] =	vst.idx.add.f32.msk $0xffff, v1  }
0x83: {  	v2 =	vld [tilespmem:$0xD0];
	_ =	sdelay $0x5  }
0x84: {  	p0 =	seq.s32 s12, $0x4E0  }
0x85: {  	s14 =	sshrl.u32 @!p0 s25, $0x3  }
0x86: {  	s16 =	simm.s32 @!p0 $0x0;
	s15 =	sadd.s32 @!p0 s5, s14;
	[tilespmem:v2+s10+$0x0] =	vst.idx.add.f32.msk $0xffff, v1  }
0x87: {  	[tilespmem:s16], [sflag:$0x3] =	stream.linear.gather @!p0 [hbm4b:s15+s16], $0x60, $0x38;
	[tilespmem:$0x1CA00] =	vst v63  }
0x88: {  	s15 =	simm.s32 @!p0 $0x3  }
0x89: {  	_ =	swait.ge @!p0 [sflag:s15], $0x60  }
0x8a: {  	[sflag:s15] =	ssyncset.done @!p0 $0x0  }
0x8b: {  	s17 =	simm.s32 @!p0 $0x80;
	s14 =	sadd.s32 @!p0 s6, s14;
	[sflag:s15] =	ssyncadd.s32 @!p0 $0xFFFFFFA0  }
0x8c: {  	[tilespmem:s17], [sflag:$0x3] =	stream.linear.gather @!p0 [hbm4b:s14+s16], $0x60, $0x38;
	[tilespmem:$0x1CA00] =	vst v63  }
0x8d: {  	_ =	swait.ge @!p0 [sflag:s15], $0x60  }
0x8e: {  	[sflag:s15] =	ssyncset.done @!p0 $0x0  }
0x8f: {  	s14 =	simm.s32 @!p0 $0x60;
	s17 =	simm.s32 @!p0 $0x200;
	[sflag:s15] =	ssyncadd.s32 @!p0 $0xFFFFFFA0  }
0x90: {  	[tilespmem:s17], [sflag:$0x1] =	stream.indirect.gather @!p0 [hbm4b:s0+s14], $0x80, s16, s14, $0xb8;
	[tilespmem:$0x1CA00] =	vst v63  }
0x91: {  	_ =	swait.ge [sflag:s11], $0x3000  }
0x92: {  	[sflag:s11] =	ssyncset.done $0x0  }
0x93: {  	[sflag:s11] =	ssyncadd.s32 $0xFFFFD000  }
0x94: {  	[spmem:s3] =	stream.indirect.scatter.add.f32 [tilespmem:s8], [sflag:$0x3], $0x80, s2, s31, $0xb8;
	[tilespmem:$0x1CA00] =	vst v63  }
0x95: {  	_ =	swait.ge [sflag:s29], $0x3000  }
0x96: {  	[sflag:s29] =	ssyncset.done $0x0  }
0x97: {  	[sflag:s29] =	ssyncadd.s32 $0xFFFFD000  }
0x98: {  	v2 =	vld [tilespmem:$0x180];
	_ =	sdelay $0x7  }
0x99: {  	[tilespmem:v2+s10+$0x0] =	vst.idx.add.f32.msk $0xffff, v1  }
0x9a: {  	v2 =	vld [tilespmem:$0x190];
	_ =	sdelay $0x7  }
0x9b: {  	[tilespmem:v2+s10+$0x0] =	vst.idx.add.f32.msk $0xffff, v1  }
0x9c: {  	v2 =	vld [tilespmem:$0x1A0];
	_ =	sdelay $0x7  }
0x9d: {  	[tilespmem:v2+s10+$0x0] =	vst.idx.add.f32.msk $0xffff, v1  }
0x9e: {  	v2 =	vld [tilespmem:$0x1B0];
	_ =	sdelay $0x7  }
0x9f: {  	[tilespmem:v2+s10+$0x0] =	vst.idx.add.f32.msk $0xffff, v1  }
0xa0: {  	v2 =	vld [tilespmem:$0x1C0];
	_ =	sdelay $0x7  }
0xa1: {  	[tilespmem:v2+s10+$0x0] =	vst.idx.add.f32.msk $0xffff, v1  }
0xa2: {  	v2 =	vld [tilespmem:$0x1D0];
	_ =	sdelay $0x7  }
0xa3: {  	s18 =	simm.s32 @!p0 $0x100;
	s17 =	sadd.s32 @!p0 s12, s24;
	[tilespmem:v2+s10+$0x0] =	vst.idx.add.f32.msk $0xffff, v1  }
0xa4: {  	[tilespmem:s18], [sflag:$0x3] =	stream.linear.gather @!p0 [hbm4b:s17+s16], $0x60, $0x38;
	[tilespmem:$0x1CA00] =	vst v63  }
0xa5: {  	s17 =	sadd.s32 @!p0 s12, s23;
	s12 =	sadd.s32 @!p0 $0x18, s12;
	_ =	swait.ge @!p0 [sflag:s15], $0x60  }
0xa6: {  	p1 =	sne.s32 @!p0 s12, $0x4F8;
	[sflag:s15] =	ssyncset.done @!p0 $0x0  }
0xa7: {  	s19 =	simm.s32 @!p0 $0x180;
	p1 =	por p0, !p1;
	[sflag:s15] =	ssyncadd.s32 @!p0 $0xFFFFFFA0  }
0xa8: {  	[tilespmem:s19], [sflag:$0x3] =	stream.linear.gather @!p0 [hbm4b:s17+s16], $0x60, $0x38;
	[tilespmem:$0x1CA00] =	vst v63  }
.Ltmp2:
0xa9: {  	_ = 	snop;
	(pc) =	sbr.rel @!p1 .LBB2_6-.Ltmp2, $4  }
0xaa: {  	_ =	swait.ge @!p0 [sflag:s15], $0x60  }
0xab: {  	[sflag:s15] =	ssyncset.done @!p0 $0x0  }
0xac: {  	s25 =	sadd.s32 @!p0 $0xC0, s25;
	[sflag:s15] =	ssyncadd.s32 @!p0 $0xFFFFFFA0;
	s15 =	simm.s32 @!p0 $0x3200  }
0xad: {  	[tilespmem:s15], [sflag:$0x2] =	stream.indirect.gather @!p0 [hbm4b:s0+s14], $0x80, s18, s14, $0xb8;
	[tilespmem:$0x1CA00] =	vst v63  }
0xae: {  	[bflag:$0x0] =	sbarrier.arrive $0xFFFF;
	s12 =	simm.s32 $0x400;
	s25 =	stileid.u32  }
0xaf: {  	[hbm4b:s20+s30] =	stream.strided.scatter [tilespmem:s10], [sflag:$0x3], $0x2800, s12, s30, $0x38;
	[tilespmem:$0x1CA00] =	vst v63  }
0xb0: {  	s14 =	sshrl.u32 s7, $0x3;
	s4 =	sadd.s32 $0x1, s4;
	_ =	swait.ge [sflag:s29], $0x2800  }
0xb1: {  	s12 =	sshll.u32 s25, $0x6;
	p0 =	sne.s32 s4, s22;
	[sflag:s29] =	ssyncset.done $0x0  }
.Ltmp3:
0xb2: {  	s12 =	sor.u32 $0x1C03, s12;
	[sflag:s29] =	ssyncadd.s32 $0xFFFFD800;
	(pc) =	sbr.rel @p0 .LBB2_1-.Ltmp3, $4  }
0xb3: {  	[hbm:s21], [sflag:s12] =	dma.local [spmem:s14], $0x2800  }
0xb4: {  	_ =	swait.ge [sflag:s29], $0x2800  }
0xb5: {  	[sflag:s29] =	ssyncset.done $0x0  }
0xb6: {  	[sflag:s29] =	ssyncadd.s32 $0xFFFFD800  }
0xb7: {  	_ =	sfence.sel $0x180000  }
0xb8: {  	[bflag:$0x0] =	sbarrier.arrive $0xFFFF  }
0xb9: {  	_ =	strace $0x90000047  }
0xba: {  	s0 =	stileid.u32;
	[bflag:$0x2] =	sbarrier.arrive $0xFFFF  }
0xbb: {  	p0 =	sne.s32 s0, $0x0;
	s0 =	rddreg [dreg:$0x4]  }
0xbc: {  	s0 =	sadd.s32 @!p0 $0x100000, s0  }
0xbd: {  	[sflag:s0] =	ssyncadd.tile.s32 @!p0 $0x1;
	_ =	shalt  }
.Lfunc_end2:
_tile_overlayer_lowered:
.L_overlay_start_2:
0xbe: {  	(tag) =	ssettag $0x2  }
0xbf: {  	s0 =	rddreg [dreg:$0x0];
	s2 =	stileid.u32  }
0xc0: {  	s1 =	rddreg [dreg:$0x1];
	p0 =	sne.s32 s2, $0x0  }
0xc1: {  	s3 =	rddreg [dreg:$0x2];
	[bflag:$0x3] =	sbarrier.arrive $0xFFFF;
	s2 =	simm.s32 @!p0 $0x1C03  }
0xc2: {  	[timem:s3], [sflag:s2] =	dma.local @!p0 [hbm:s0], s1  }
0xc3: {  	s0 =	simm.s32 @!p0 $0x3  }
0xc4: {  	_ =	swait.ge @!p0 [sflag:s0], s1  }
0xc5: {  	s1 =	ssub.s32 @!p0 $0x0, s1;
	[sflag:s0] =	ssyncset.done @!p0 $0x0  }
0xc6: {  	[sflag:s0] =	ssyncadd.s32 @!p0 s1  }
0xc7: {  	[bflag:$0x3] =	sbarrier.arrive $0xFFFF  }
0xc8: {  	_ =	shalt  }

</sc_bundles>
